<compile_context>
chip_gen: v7x
topology: tpu7x:2x2x1
jax: 0.10.2.dev20260603
libtpu: 0.0.44.dev20260713+nightly
codegen_flags: <defaults>
</compile_context>

<pallas_src>
import functools

import jax
import jax.numpy as jnp
from jax import lax
from jax.experimental import pallas as pl
from jax.experimental.pallas import tpu as pltpu
from jax.experimental.pallas import tpu_sc as plsc

NC, NS, LANES = 2, 16, 16
NW = NC * NS
CH = 128
HD = 64


def _edge_aggregate(gsplit, srcs, dsts, zeros2d, n_pad):
    n_rows = srcs.shape[1]
    rows_per_tile = n_pad // NS
    half = n_rows // 2
    assert n_rows % 4 == 0

    mesh = plsc.VectorSubcoreMesh(core_axis_name="c", subcore_axis_name="s")

    @functools.partial(
        pl.kernel,
        out_type=jax.ShapeDtypeStruct((NC, n_pad, HD), jnp.float32),
        mesh=mesh,
        scratch_types=[
            pltpu.VMEM((n_rows, CH), jnp.int32),
            pltpu.VMEM((half, CH), jnp.int32),
            pltpu.VMEM((CH, HD), jnp.float32),
            pltpu.VMEM((CH, HD), jnp.float32),
            pltpu.VMEM_SHARED((n_pad, HD), jnp.float32),
            pltpu.VMEM_SHARED((n_pad, HD), jnp.float32),
            pltpu.SemaphoreType.DMA,
            pltpu.SemaphoreType.DMA,
        ],
        compiler_params=pltpu.CompilerParams(use_tc_tiling_on_sc=False),
    )
    def body(g_hbm, src_hbm, dst_hbm, z_hbm, out_hbm, srcv, dstv,
             bufa, bufb, gsp, acc, sema, semb):
        c = lax.axis_index("c")
        s = lax.axis_index("s")
        pltpu.sync_copy(src_hbm.at[s], srcv)
        pltpu.sync_copy(dst_hbm.at[s, pl.ds(0, half)], dstv)
        base = s * rows_per_tile
        pltpu.sync_copy(z_hbm, acc.at[pl.ds(base, rows_per_tile)])
        pltpu.sync_copy(g_hbm.at[c, pl.ds(base, rows_per_tile)],
                        gsp.at[pl.ds(base, rows_per_tile)])
        plsc.subcore_barrier()

        def fire(j, buf, sem):
            pltpu.async_copy(gsp.at[srcv.at[j]], buf, sem)

        def drain(j, buf, sem):
            pltpu.make_async_copy(gsp.at[srcv.at[j]], buf, sem).wait()

        def half_loop(j_base):

            def step(j2, carry):
                j = j_base + 2 * j2
                fire(j + 1, bufb, semb)
                drain(j, bufa, sema)
                pltpu.sync_copy(bufa, acc.at[dstv.at[2 * j2]], add=True)

                @pl.when(j + 2 < n_rows)
                def _():
                    fire(j + 2, bufa, sema)

                drain(j + 1, bufb, semb)
                pltpu.sync_copy(bufb, acc.at[dstv.at[2 * j2 + 1]], add=True)
                return carry

            lax.fori_loop(0, half // 2, step, 0)

        fire(0, bufa, sema)
        half_loop(0)
        pltpu.sync_copy(dst_hbm.at[s, pl.ds(half, half)], dstv)
        half_loop(half)

        plsc.subcore_barrier()
        pltpu.sync_copy(acc.at[pl.ds(base, rows_per_tile)],
                        out_hbm.at[c, pl.ds(base, rows_per_tile)])

    return body(gsplit, srcs, dsts, zeros2d)


def _degree(dst3, zeros1d, ones1d, n_pad):
    n_rows = dst3.shape[1]
    rows_per_tile = n_pad // NS

    mesh = plsc.VectorSubcoreMesh(core_axis_name="c", subcore_axis_name="s")

    @functools.partial(
        pl.kernel,
        out_type=jax.ShapeDtypeStruct((NC, n_pad), jnp.float32),
        mesh=mesh,
        scratch_types=[
            pltpu.VMEM((n_rows, CH), jnp.int32),
            pltpu.VMEM((CH,), jnp.float32),
            pltpu.VMEM_SHARED((n_pad,), jnp.float32),
        ],
    )
    def body(dst_hbm, z_hbm, ones_hbm, out_hbm, dstv, onesv, acc):
        c = lax.axis_index("c")
        s = lax.axis_index("s")
        wid = c * NS + s
        pltpu.sync_copy(ones_hbm, onesv)
        pltpu.sync_copy(dst_hbm.at[wid], dstv)
        base = s * rows_per_tile
        pltpu.sync_copy(z_hbm, acc.at[pl.ds(base, rows_per_tile)])
        plsc.subcore_barrier()

        def chunk(j, carry):
            pltpu.sync_copy(onesv, acc.at[dstv.at[j]], add=True)
            return carry

        lax.fori_loop(0, n_rows, chunk, 0)
        plsc.subcore_barrier()
        pltpu.sync_copy(acc.at[pl.ds(base, rows_per_tile)],
                        out_hbm.at[c, pl.ds(base, rows_per_tile)])

    return body(dst3, zeros1d, ones1d)


_BR = 1000


def _tc_prep(x, W1, degp, n_pad):
    n, d = x.shape

    def body(x_ref, w_ref, degp_ref, g_ref, dinv_ref):
        deg = degp_ref[0] + degp_ref[1] + 1.0
        dinv = 1.0 / jnp.sqrt(deg)
        dinv_ref[...] = dinv
        g = jnp.dot(x_ref[...], w_ref[...],
                    preferred_element_type=jnp.float32) * dinv
        g_ref[0] = g[:, :HD]
        g_ref[1] = g[:, HD:]

    return pl.pallas_call(
        body,
        grid=(n // _BR,),
        in_specs=[
            pl.BlockSpec((_BR, d), lambda i: (i, 0)),
            pl.BlockSpec((d, d), lambda i: (0, 0)),
            pl.BlockSpec((NC, _BR, 1), lambda i: (0, i, 0)),
        ],
        out_specs=[
            pl.BlockSpec((NC, _BR, HD), lambda i: (0, i, 0)),
            pl.BlockSpec((_BR, 1), lambda i: (i, 0)),
        ],
        out_shape=[
            jax.ShapeDtypeStruct((NC, n_pad, HD), jnp.float32),
            jax.ShapeDtypeStruct((n, 1), jnp.float32),
        ],
    )(x, W1, degp)


def _tc_mid(parts, g1, dinv, b1, W2, n_pad):
    n = dinv.shape[0]
    d = W2.shape[0]

    def body(p_ref, g_ref, dinv_ref, b_ref, w_ref, out_ref):
        sm = jnp.concatenate([p_ref[0] + g_ref[0], p_ref[1] + g_ref[1]],
                             axis=1)
        x2 = jnp.maximum(sm * dinv_ref[...] + b_ref[...], 0.0)
        g2 = jnp.dot(x2, w_ref[...],
                     preferred_element_type=jnp.float32) * dinv_ref[...]
        out_ref[0] = g2[:, :HD]
        out_ref[1] = g2[:, HD:]

    return pl.pallas_call(
        body,
        grid=(n // _BR,),
        in_specs=[
            pl.BlockSpec((NC, _BR, HD), lambda i: (0, i, 0)),
            pl.BlockSpec((NC, _BR, HD), lambda i: (0, i, 0)),
            pl.BlockSpec((_BR, 1), lambda i: (i, 0)),
            pl.BlockSpec((1, d), lambda i: (0, 0)),
            pl.BlockSpec((d, d), lambda i: (0, 0)),
        ],
        out_specs=pl.BlockSpec((NC, _BR, HD), lambda i: (0, i, 0)),
        out_shape=jax.ShapeDtypeStruct((NC, n_pad, HD), jnp.float32),
    )(parts, g1, dinv, b1, W2)


def _tc_final(parts, g2, dinv, b2, Wf, x, Ws, bf, bs):
    n = dinv.shape[0]
    d = Wf.shape[0]
    dout = Wf.shape[1]

    def body(p_ref, g_ref, dinv_ref, b2_ref, wf_ref, x_ref, ws_ref,
             bf_ref, bs_ref, out_ref):
        sm = jnp.concatenate([p_ref[0] + g_ref[0], p_ref[1] + g_ref[1]],
                             axis=1)
        h2 = jnp.maximum(sm * dinv_ref[...] + b2_ref[...], 0.0)
        out_ref[...] = (jnp.dot(h2, wf_ref[...], preferred_element_type=jnp.float32)
                        + jnp.dot(x_ref[...], ws_ref[...],
                                  preferred_element_type=jnp.float32)
                        + bf_ref[...] + bs_ref[...])

    return pl.pallas_call(
        body,
        grid=(n // _BR,),
        in_specs=[
            pl.BlockSpec((NC, _BR, HD), lambda i: (0, i, 0)),
            pl.BlockSpec((NC, _BR, HD), lambda i: (0, i, 0)),
            pl.BlockSpec((_BR, 1), lambda i: (i, 0)),
            pl.BlockSpec((1, d), lambda i: (0, 0)),
            pl.BlockSpec((d, dout), lambda i: (0, 0)),
            pl.BlockSpec((_BR, x.shape[1]), lambda i: (i, 0)),
            pl.BlockSpec((x.shape[1], dout), lambda i: (0, 0)),
            pl.BlockSpec((1, dout), lambda i: (0, 0)),
            pl.BlockSpec((1, dout), lambda i: (0, 0)),
        ],
        out_specs=pl.BlockSpec((_BR, dout), lambda i: (i, 0)),
        out_shape=jax.ShapeDtypeStruct((n, dout), jnp.float32),
    )(parts, g2, dinv, b2, Wf, x, Ws, bf, bs)


def kernel(x, edge_index, W1, b1, W2, b2, Wf, bf, Ws, bs):
    n, d = x.shape
    e = edge_index.shape[1]

    tile_e = 4 * CH
    per_tile = -(-e // (NS * tile_e)) * tile_e
    e_pad = per_tile * NS
    n_rows = per_tile // CH
    ei = edge_index.astype(jnp.int32)
    src_pad = jnp.pad(ei[0], (0, e_pad - e))
    dst_pad = jnp.pad(ei[1], (0, e_pad - e), constant_values=n)
    srcs = src_pad.reshape(NS, n_rows, CH)
    dsts = dst_pad.reshape(NS, n_rows, CH)
    dst3 = dst_pad.reshape(NW, e_pad // (NW * CH), CH)

    n_pad_deg = -(-(n + 1) // (128 * NS)) * (128 * NS)
    n_pad_agg = -(-(n + 1) // (8 * NS)) * (8 * NS)
    zeros2d = jnp.zeros((n_pad_agg // NS, HD), jnp.float32)
    zeros1d = jnp.zeros((n_pad_deg // NS,), jnp.float32)
    ones1d = jnp.ones((CH,), jnp.float32)

    degp = _degree(dst3, zeros1d, ones1d, n_pad_deg)
    degp3 = degp.reshape(NC, n_pad_deg, 1)
    g1, dinv = _tc_prep(x, W1, degp3, n_pad_agg)
    parts1 = _edge_aggregate(g1, srcs, dsts, zeros2d, n_pad_agg)
    g2 = _tc_mid(parts1, g1, dinv, b1.reshape(1, -1), W2, n_pad_agg)
    parts2 = _edge_aggregate(g2, srcs, dsts, zeros2d, n_pad_agg)
    return _tc_final(parts2, g2, dinv, b2.reshape(1, -1), Wf, x, Ws,
                     bf.reshape(1, -1), bs.reshape(1, -1))

# --- scband reference (transcript-rebuilt; emitter-appended) ---
"""Pipeline reference for scband-traffic-gnn-12893491822881 (READ-ONLY COPY).

The authoritative reference and input builder live on the scoring server;
editing this copy changes nothing except your own understanding.
"""

import jax, jax.numpy as jnp
import numpy as np


def _gcn_conv(x, edge_index, W, b):
    n = x.shape[0]
    src = edge_index[0]
    dst = edge_index[1]
    loop = jnp.arange(n, dtype=edge_index.dtype)
    src = jnp.concatenate([src, loop])
    dst = jnp.concatenate([dst, loop])
    # symmetric normalization (PyG GCNConv default): deg computed on dst with self-loops
    deg = jnp.zeros((n,), dtype=x.dtype).at[dst].add(1.0)
    deg_inv_sqrt = jnp.where(deg > 0, 1.0 / jnp.sqrt(deg), 0.0)
    norm = deg_inv_sqrt[src] * deg_inv_sqrt[dst]
    h = x @ W
    msg = h[src] * norm[:, None]
    out = jnp.zeros((n, W.shape[1]), dtype=x.dtype).at[dst].add(msg)
    return out + b


def setup_inputs(seed: int = 0) -> dict:
    key = jax.random.key(seed)
    ks = jax.random.split(key, 12)
    n_nodes, d_in, d_hid, d_out, n_edges = 10000, 128, 128, 128, 320000
    x = jax.random.normal(ks[0], (n_nodes, d_in), dtype=jnp.float32)
    edge_index = jax.random.randint(ks[1], (2, n_edges), 0, n_nodes, dtype=jnp.int64)
    sc1 = 1.0 / np.sqrt(d_in)
    sc2 = 1.0 / np.sqrt(d_hid)
    W1 = jax.random.uniform(ks[2], (d_in, d_hid), jnp.float32, -sc1, sc1)
    b1 = jax.random.uniform(ks[3], (d_hid,), jnp.float32, -sc1, sc1)
    W2 = jax.random.uniform(ks[4], (d_hid, d_hid), jnp.float32, -sc2, sc2)
    b2 = jax.random.uniform(ks[5], (d_hid,), jnp.float32, -sc2, sc2)
    Wf = jax.random.uniform(ks[6], (d_hid, d_out), jnp.float32, -sc2, sc2)
    bf = jax.random.uniform(ks[7], (d_out,), jnp.float32, -sc2, sc2)
    Ws = jax.random.uniform(ks[8], (d_in, d_out), jnp.float32, -sc1, sc1)
    bs = jax.random.uniform(ks[9], (d_out,), jnp.float32, -sc1, sc1)
    return {"x": x, "edge_index": edge_index, "W1": W1, "b1": b1, "W2": W2,
            "b2": b2, "Wf": Wf, "bf": bf, "Ws": Ws, "bs": bs}


def reference(x, edge_index, W1, b1, W2, b2, Wf, bf, Ws, bs):
    h = jax.nn.relu(_gcn_conv(x, edge_index, W1, b1))
    h = jax.nn.relu(_gcn_conv(h, edge_index, W2, b2))
    return (h @ Wf + bf) + (x @ Ws + bs)

if __name__ == "__main__":
    import jax
    _d = setup_inputs()
    print(jax.jit(kernel)(*tuple(_d.values())))

</pallas_src>

<mosaic_0001>
#map = affine_map<(d0, d1) -> (0, 0, 0)>
#map1 = affine_map<(d0, d1) -> (0)>
#map2 = affine_map<(d0, d1) -> (0, 0)>
module attributes {stable_mosaic.version = 14 : i64} {
  func.func @body(%arg0: i32, %arg1: i32, %arg2: memref<32x80x128xi32, #tpu.memory_space<hbm>>, %arg3: memref<640xf32, #tpu.memory_space<hbm>>, %arg4: memref<128xf32, #tpu.memory_space<hbm>>, %arg5: memref<2x10240xf32, #tpu.memory_space<hbm>>, %arg6: memref<80x128xi32, #tpu.memory_space<vmem>>, %arg7: memref<128xf32, #tpu.memory_space<vmem>>, %arg8: memref<10240xf32, #tpu.memory_space<vmem_shared>>) attributes {dimension_semantics = [#tpu.dimension_semantics<core_parallel>, #tpu.dimension_semantics<subcore_parallel>], iteration_bounds = array<i64: 2, 16>, scalar_prefetch = 0 : i64, scratch_operands = 3 : i64, tpu.core_type = #tpu.core_type<sc_vector_subcore>, window_params = [{transform_indices = #map}, {transform_indices = #map1}, {transform_indices = #map1}, {transform_indices = #map2}]} {
    %mul3A = arith.constant 16 : i32
    %mul3A_0 = arith.muli %arg0, %mul3A : i32
    %add3A = arith.addi %mul3A_0, %arg1 : i32
    "tpu.region"() ({
      %run_scoped3A = tpu.sem_alloc : memref<!tpu.dma_semaphore, #tpu.memory_space<semaphore_mem>>
      tpu.enqueue_dma source(%arg4 : memref<128xf32, #tpu.memory_space<hbm>>) target(%arg7 : memref<128xf32, #tpu.memory_space<vmem>>) target_semaphore(%run_scoped3A : memref<!tpu.dma_semaphore, #tpu.memory_space<semaphore_mem>>)
      tpu.wait_dma2 semaphore(%run_scoped3A : memref<!tpu.dma_semaphore, #tpu.memory_space<semaphore_mem>>) src(%arg4 : memref<128xf32, #tpu.memory_space<hbm>>) dst(%arg7 : memref<128xf32, #tpu.memory_space<vmem>>)
      tpu.yield
    }) : () -> ()
    "tpu.region"() ({
      %run_scoped3A = tpu.sem_alloc : memref<!tpu.dma_semaphore, #tpu.memory_space<semaphore_mem>>
      %dma_start3A = arith.constant 0 : i32
      %dma_start3A_9 = arith.constant 0 : i32
      %dma_start3A_10 = tpu.memref_slice %arg2[%add3A, %dma_start3A, %dma_start3A_9] : memref<32x80x128xi32, #tpu.memory_space<hbm>> -> memref<1x80x128xi32, #tpu.memory_space<hbm>>
      %dma_start3A_11 = tpu.memref_squeeze %dma_start3A_10 : memref<1x80x128xi32, #tpu.memory_space<hbm>> -> memref<80x128xi32, #tpu.memory_space<hbm>>
      %dma_start3A_12 = arith.constant 0 : i32
      %dma_start3A_13 = arith.constant 0 : i32
      %dma_start3A_14 = tpu.memref_slice %arg2[%add3A, %dma_start3A_12, %dma_start3A_13] : memref<32x80x128xi32, #tpu.memory_space<hbm>> -> memref<1x80x128xi32, #tpu.memory_space<hbm>>
      %dma_start3A_15 = tpu.memref_squeeze %dma_start3A_14 : memref<1x80x128xi32, #tpu.memory_space<hbm>> -> memref<80x128xi32, #tpu.memory_space<hbm>>
      tpu.enqueue_dma source(%dma_start3A_15 : memref<80x128xi32, #tpu.memory_space<hbm>>) target(%arg6 : memref<80x128xi32, #tpu.memory_space<vmem>>) target_semaphore(%run_scoped3A : memref<!tpu.dma_semaphore, #tpu.memory_space<semaphore_mem>>)
      %dma_wait3A = arith.constant 0 : i32
      %dma_wait3A_16 = arith.constant 0 : i32
      %dma_wait3A_17 = tpu.memref_slice %arg2[%add3A, %dma_wait3A, %dma_wait3A_16] : memref<32x80x128xi32, #tpu.memory_space<hbm>> -> memref<1x80x128xi32, #tpu.memory_space<hbm>>
      %dma_wait3A_18 = tpu.memref_squeeze %dma_wait3A_17 : memref<1x80x128xi32, #tpu.memory_space<hbm>> -> memref<80x128xi32, #tpu.memory_space<hbm>>
      %dma_wait3A_19 = arith.constant 0 : i32
      %dma_wait3A_20 = arith.constant 0 : i32
      %dma_wait3A_21 = tpu.memref_slice %arg2[%add3A, %dma_wait3A_19, %dma_wait3A_20] : memref<32x80x128xi32, #tpu.memory_space<hbm>> -> memref<1x80x128xi32, #tpu.memory_space<hbm>>
      %dma_wait3A_22 = tpu.memref_squeeze %dma_wait3A_21 : memref<1x80x128xi32, #tpu.memory_space<hbm>> -> memref<80x128xi32, #tpu.memory_space<hbm>>
      tpu.wait_dma2 semaphore(%run_scoped3A : memref<!tpu.dma_semaphore, #tpu.memory_space<semaphore_mem>>) src(%dma_wait3A_22 : memref<80x128xi32, #tpu.memory_space<hbm>>) dst(%arg6 : memref<80x128xi32, #tpu.memory_space<vmem>>)
      tpu.yield
    }) : () -> ()
    %mul3A_1 = arith.constant 640 : i32
    %mul3A_2 = arith.muli %arg1, %mul3A_1 : i32
    "tpu.region"() ({
      %run_scoped3A = tpu.sem_alloc : memref<!tpu.dma_semaphore, #tpu.memory_space<semaphore_mem>>
      %dma_start3A = tpu.memref_slice %arg8[%mul3A_2] : memref<10240xf32, #tpu.memory_space<vmem_shared>> -> memref<640xf32, #tpu.memory_space<vmem_shared>>
      tpu.enqueue_dma source(%arg3 : memref<640xf32, #tpu.memory_space<hbm>>) target(%dma_start3A : memref<640xf32, #tpu.memory_space<vmem_shared>>) target_semaphore(%run_scoped3A : memref<!tpu.dma_semaphore, #tpu.memory_space<semaphore_mem>>)
      %dma_wait3A = tpu.memref_slice %arg8[%mul3A_2] : memref<10240xf32, #tpu.memory_space<vmem_shared>> -> memref<640xf32, #tpu.memory_space<vmem_shared>>
      tpu.wait_dma2 semaphore(%run_scoped3A : memref<!tpu.dma_semaphore, #tpu.memory_space<semaphore_mem>>) src(%arg3 : memref<640xf32, #tpu.memory_space<hbm>>) dst(%dma_wait3A : memref<640xf32, #tpu.memory_space<vmem_shared>>)
      tpu.yield
    }) : () -> ()
    %barrier3A = arith.constant 0 : index
    tpu.barrier barrier_id(%barrier3A)
    %scan3A = arith.constant 0 : i32
    %scan3A_3 = arith.constant 0 : i32
    %scan3A_4 = arith.constant 80 : i32
    %scan3A_5 = arith.addi %scan3A_3, %scan3A_4 : i32
    %scan3A_6 = arith.constant 1 : i32
    scf.for %scan3A_9 = %scan3A_3 to %scan3A_5 step %scan3A_6  : i32 {
      "tpu.region"() ({
        %run_scoped3A = tpu.sem_alloc : memref<!tpu.dma_semaphore, #tpu.memory_space<semaphore_mem>>
        %dma_start3A = arith.constant 0 : i32
        %dma_start3A_10 = tpu.memref_slice %arg6[%scan3A_9, %dma_start3A] : memref<80x128xi32, #tpu.memory_space<vmem>> -> memref<1x128xi32, #tpu.memory_space<vmem>>
        %dma_start3A_11 = tpu.memref_squeeze %dma_start3A_10 : memref<1x128xi32, #tpu.memory_space<vmem>> -> memref<128xi32, #tpu.memory_space<vmem>>
        %dma_start3A_12 = arith.constant 0 : i32
        %dma_start3A_13 = tpu.memref_slice %arg8[%dma_start3A_12] : memref<10240xf32, #tpu.memory_space<vmem_shared>> -> memref<10240xf32, #tpu.memory_space<vmem_shared>>
        tpu.enqueue_indirect_dma source(%arg7 : memref<128xf32, #tpu.memory_space<vmem>>) target(%dma_start3A_13 : memref<10240xf32, #tpu.memory_space<vmem_shared>>) offsets(%dma_start3A_11 : memref<128xi32, #tpu.memory_space<vmem>>) semaphore(%run_scoped3A : memref<!tpu.dma_semaphore, #tpu.memory_space<semaphore_mem>>) {add = true}
        %dma_wait3A = arith.constant 0 : i32
        %dma_wait3A_14 = tpu.memref_slice %arg6[%scan3A_9, %dma_wait3A] : memref<80x128xi32, #tpu.memory_space<vmem>> -> memref<1x128xi32, #tpu.memory_space<vmem>>
        %dma_wait3A_15 = tpu.memref_squeeze %dma_wait3A_14 : memref<1x128xi32, #tpu.memory_space<vmem>> -> memref<128xi32, #tpu.memory_space<vmem>>
        %dma_wait3A_16 = arith.constant 0 : i32
        %dma_wait3A_17 = tpu.memref_slice %arg8[%dma_wait3A_16] : memref<10240xf32, #tpu.memory_space<vmem_shared>> -> memref<10240xf32, #tpu.memory_space<vmem_shared>>
        tpu.wait_indirect_dma semaphore(%run_scoped3A : memref<!tpu.dma_semaphore, #tpu.memory_space<semaphore_mem>>) src(%arg7 : memref<128xf32, #tpu.memory_space<vmem>>) dst(%dma_wait3A_17 : memref<10240xf32, #tpu.memory_space<vmem_shared>>)
        tpu.yield
      }) : () -> ()
    }
    %scan3A_7 = arith.constant 80 : i32
    %barrier3A_8 = arith.constant 0 : index
    tpu.barrier barrier_id(%barrier3A_8)
    "tpu.region"() ({
      %run_scoped3A = tpu.sem_alloc : memref<!tpu.dma_semaphore, #tpu.memory_space<semaphore_mem>>
      %dma_start3A = tpu.memref_slice %arg5[%arg0, %mul3A_2] : memref<2x10240xf32, #tpu.memory_space<hbm>> -> memref<1x640xf32, #tpu.memory_space<hbm>>
      %dma_start3A_9 = tpu.memref_squeeze %dma_start3A : memref<1x640xf32, #tpu.memory_space<hbm>> -> memref<640xf32, #tpu.memory_space<hbm>>
      %dma_start3A_10 = tpu.memref_slice %arg8[%mul3A_2] : memref<10240xf32, #tpu.memory_space<vmem_shared>> -> memref<640xf32, #tpu.memory_space<vmem_shared>>
      tpu.enqueue_dma source(%dma_start3A_10 : memref<640xf32, #tpu.memory_space<vmem_shared>>) target(%dma_start3A_9 : memref<640xf32, #tpu.memory_space<hbm>>) target_semaphore(%run_scoped3A : memref<!tpu.dma_semaphore, #tpu.memory_space<semaphore_mem>>)
      %dma_wait3A = tpu.memref_slice %arg5[%arg0, %mul3A_2] : memref<2x10240xf32, #tpu.memory_space<hbm>> -> memref<1x640xf32, #tpu.memory_space<hbm>>
      %dma_wait3A_11 = tpu.memref_squeeze %dma_wait3A : memref<1x640xf32, #tpu.memory_space<hbm>> -> memref<640xf32, #tpu.memory_space<hbm>>
      %dma_wait3A_12 = tpu.memref_slice %arg8[%mul3A_2] : memref<10240xf32, #tpu.memory_space<vmem_shared>> -> memref<640xf32, #tpu.memory_space<vmem_shared>>
      tpu.wait_dma2 semaphore(%run_scoped3A : memref<!tpu.dma_semaphore, #tpu.memory_space<semaphore_mem>>) src(%dma_wait3A_12 : memref<640xf32, #tpu.memory_space<vmem_shared>>) dst(%dma_wait3A_11 : memref<640xf32, #tpu.memory_space<hbm>>)
      tpu.yield
    }) : () -> ()
    return
  }
}

#map = affine_map<(d0, d1) -> (0, 0, 0)>
#map1 = affine_map<(d0, d1) -> (0, 0)>
module attributes {stable_mosaic.version = 14 : i64} {
  func.func @body(%arg0: i32, %arg1: i32, %arg2: memref<2x10112x64xf32, #tpu.memory_space<hbm>>, %arg3: memref<16x160x128xi32, #tpu.memory_space<hbm>>, %arg4: memref<16x160x128xi32, #tpu.memory_space<hbm>>, %arg5: memref<632x64xf32, #tpu.memory_space<hbm>>, %arg6: memref<2x10112x64xf32, #tpu.memory_space<hbm>>, %arg7: memref<160x128xi32, #tpu.memory_space<vmem>>, %arg8: memref<80x128xi32, #tpu.memory_space<vmem>>, %arg9: memref<128x64xf32, #tpu.memory_space<vmem>>, %arg10: memref<128x64xf32, #tpu.memory_space<vmem>>, %arg11: memref<10112x64xf32, #tpu.memory_space<vmem_shared>>, %arg12: memref<10112x64xf32, #tpu.memory_space<vmem_shared>>, %arg13: memref<!tpu.dma_semaphore, #tpu.memory_space<semaphore_mem>>, %arg14: memref<!tpu.dma_semaphore, #tpu.memory_space<semaphore_mem>>) attributes {dimension_semantics = [#tpu.dimension_semantics<core_parallel>, #tpu.dimension_semantics<subcore_parallel>], iteration_bounds = array<i64: 2, 16>, scalar_prefetch = 0 : i64, scratch_operands = 8 : i64, tpu.core_type = #tpu.core_type<sc_vector_subcore>, window_params = [{transform_indices = #map}, {transform_indices = #map}, {transform_indices = #map}, {transform_indices = #map1}, {transform_indices = #map}]} {
    "tpu.region"() ({
      %run_scoped3A = tpu.sem_alloc : memref<!tpu.dma_semaphore, #tpu.memory_space<semaphore_mem>>
      %dma_start3A_19 = arith.constant 0 : i32
      %dma_start3A_20 = arith.constant 0 : i32
      %dma_start3A_21 = tpu.memref_slice %arg3[%arg1, %dma_start3A_19, %dma_start3A_20] : memref<16x160x128xi32, #tpu.memory_space<hbm>> -> memref<1x160x128xi32, #tpu.memory_space<hbm>>
      %dma_start3A_22 = tpu.memref_squeeze %dma_start3A_21 : memref<1x160x128xi32, #tpu.memory_space<hbm>> -> memref<160x128xi32, #tpu.memory_space<hbm>>
      %dma_start3A_23 = arith.constant 0 : i32
      %dma_start3A_24 = arith.constant 0 : i32
      %dma_start3A_25 = tpu.memref_slice %arg3[%arg1, %dma_start3A_23, %dma_start3A_24] : memref<16x160x128xi32, #tpu.memory_space<hbm>> -> memref<1x160x128xi32, #tpu.memory_space<hbm>>
      %dma_start3A_26 = tpu.memref_squeeze %dma_start3A_25 : memref<1x160x128xi32, #tpu.memory_space<hbm>> -> memref<160x128xi32, #tpu.memory_space<hbm>>
      tpu.enqueue_dma source(%dma_start3A_26 : memref<160x128xi32, #tpu.memory_space<hbm>>) target(%arg7 : memref<160x128xi32, #tpu.memory_space<vmem>>) target_semaphore(%run_scoped3A : memref<!tpu.dma_semaphore, #tpu.memory_space<semaphore_mem>>)
      %dma_wait3A = arith.constant 0 : i32
      %dma_wait3A_27 = arith.constant 0 : i32
      %dma_wait3A_28 = tpu.memref_slice %arg3[%arg1, %dma_wait3A, %dma_wait3A_27] : memref<16x160x128xi32, #tpu.memory_space<hbm>> -> memref<1x160x128xi32, #tpu.memory_space<hbm>>
      %dma_wait3A_29 = tpu.memref_squeeze %dma_wait3A_28 : memref<1x160x128xi32, #tpu.memory_space<hbm>> -> memref<160x128xi32, #tpu.memory_space<hbm>>
      %dma_wait3A_30 = arith.constant 0 : i32
      %dma_wait3A_31 = arith.constant 0 : i32
      %dma_wait3A_32 = tpu.memref_slice %arg3[%arg1, %dma_wait3A_30, %dma_wait3A_31] : memref<16x160x128xi32, #tpu.memory_space<hbm>> -> memref<1x160x128xi32, #tpu.memory_space<hbm>>
      %dma_wait3A_33 = tpu.memref_squeeze %dma_wait3A_32 : memref<1x160x128xi32, #tpu.memory_space<hbm>> -> memref<160x128xi32, #tpu.memory_space<hbm>>
      tpu.wait_dma2 semaphore(%run_scoped3A : memref<!tpu.dma_semaphore, #tpu.memory_space<semaphore_mem>>) src(%dma_wait3A_33 : memref<160x128xi32, #tpu.memory_space<hbm>>) dst(%arg7 : memref<160x128xi32, #tpu.memory_space<vmem>>)
      tpu.yield
    }) : () -> ()
    "tpu.region"() ({
      %run_scoped3A = tpu.sem_alloc : memref<!tpu.dma_semaphore, #tpu.memory_space<semaphore_mem>>
      %dma_start3A_19 = arith.constant 0 : i32
      %dma_start3A_20 = arith.constant 0 : i32
      %dma_start3A_21 = tpu.memref_slice %arg4[%arg1, %dma_start3A_19, %dma_start3A_20] : memref<16x160x128xi32, #tpu.memory_space<hbm>> -> memref<1x80x128xi32, #tpu.memory_space<hbm>>
      %dma_start3A_22 = tpu.memref_squeeze %dma_start3A_21 : memref<1x80x128xi32, #tpu.memory_space<hbm>> -> memref<80x128xi32, #tpu.memory_space<hbm>>
      %dma_start3A_23 = arith.constant 0 : i32
      %dma_start3A_24 = arith.constant 0 : i32
      %dma_start3A_25 = tpu.memref_slice %arg4[%arg1, %dma_start3A_23, %dma_start3A_24] : memref<16x160x128xi32, #tpu.memory_space<hbm>> -> memref<1x80x128xi32, #tpu.memory_space<hbm>>
      %dma_start3A_26 = tpu.memref_squeeze %dma_start3A_25 : memref<1x80x128xi32, #tpu.memory_space<hbm>> -> memref<80x128xi32, #tpu.memory_space<hbm>>
      tpu.enqueue_dma source(%dma_start3A_26 : memref<80x128xi32, #tpu.memory_space<hbm>>) target(%arg8 : memref<80x128xi32, #tpu.memory_space<vmem>>) target_semaphore(%run_scoped3A : memref<!tpu.dma_semaphore, #tpu.memory_space<semaphore_mem>>)
      %dma_wait3A = arith.constant 0 : i32
      %dma_wait3A_27 = arith.constant 0 : i32
      %dma_wait3A_28 = tpu.memref_slice %arg4[%arg1, %dma_wait3A, %dma_wait3A_27] : memref<16x160x128xi32, #tpu.memory_space<hbm>> -> memref<1x80x128xi32, #tpu.memory_space<hbm>>
      %dma_wait3A_29 = tpu.memref_squeeze %dma_wait3A_28 : memref<1x80x128xi32, #tpu.memory_space<hbm>> -> memref<80x128xi32, #tpu.memory_space<hbm>>
      %dma_wait3A_30 = arith.constant 0 : i32
      %dma_wait3A_31 = arith.constant 0 : i32
      %dma_wait3A_32 = tpu.memref_slice %arg4[%arg1, %dma_wait3A_30, %dma_wait3A_31] : memref<16x160x128xi32, #tpu.memory_space<hbm>> -> memref<1x80x128xi32, #tpu.memory_space<hbm>>
      %dma_wait3A_33 = tpu.memref_squeeze %dma_wait3A_32 : memref<1x80x128xi32, #tpu.memory_space<hbm>> -> memref<80x128xi32, #tpu.memory_space<hbm>>
      tpu.wait_dma2 semaphore(%run_scoped3A : memref<!tpu.dma_semaphore, #tpu.memory_space<semaphore_mem>>) src(%dma_wait3A_33 : memref<80x128xi32, #tpu.memory_space<hbm>>) dst(%arg8 : memref<80x128xi32, #tpu.memory_space<vmem>>)
      tpu.yield
    }) : () -> ()
    %mul3A = arith.constant 632 : i32
    %mul3A_0 = arith.muli %arg1, %mul3A : i32
    "tpu.region"() ({
      %run_scoped3A = tpu.sem_alloc : memref<!tpu.dma_semaphore, #tpu.memory_space<semaphore_mem>>
      %dma_start3A_19 = arith.constant 0 : i32
      %dma_start3A_20 = tpu.memref_slice %arg12[%mul3A_0, %dma_start3A_19] : memref<10112x64xf32, #tpu.memory_space<vmem_shared>> -> memref<632x64xf32, #tpu.memory_space<vmem_shared>>
      tpu.enqueue_dma source(%arg5 : memref<632x64xf32, #tpu.memory_space<hbm>>) target(%dma_start3A_20 : memref<632x64xf32, #tpu.memory_space<vmem_shared>>) target_semaphore(%run_scoped3A : memref<!tpu.dma_semaphore, #tpu.memory_space<semaphore_mem>>)
      %dma_wait3A = arith.constant 0 : i32
      %dma_wait3A_21 = tpu.memref_slice %arg12[%mul3A_0, %dma_wait3A] : memref<10112x64xf32, #tpu.memory_space<vmem_shared>> -> memref<632x64xf32, #tpu.memory_space<vmem_shared>>
      tpu.wait_dma2 semaphore(%run_scoped3A : memref<!tpu.dma_semaphore, #tpu.memory_space<semaphore_mem>>) src(%arg5 : memref<632x64xf32, #tpu.memory_space<hbm>>) dst(%dma_wait3A_21 : memref<632x64xf32, #tpu.memory_space<vmem_shared>>)
      tpu.yield
    }) : () -> ()
    "tpu.region"() ({
      %run_scoped3A = tpu.sem_alloc : memref<!tpu.dma_semaphore, #tpu.memory_space<semaphore_mem>>
      %dma_start3A_19 = arith.constant 0 : i32
      %dma_start3A_20 = tpu.memref_slice %arg11[%mul3A_0, %dma_start3A_19] : memref<10112x64xf32, #tpu.memory_space<vmem_shared>> -> memref<632x64xf32, #tpu.memory_space<vmem_shared>>
      %dma_start3A_21 = arith.constant 0 : i32
      %dma_start3A_22 = tpu.memref_slice %arg2[%arg0, %mul3A_0, %dma_start3A_21] : memref<2x10112x64xf32, #tpu.memory_space<hbm>> -> memref<1x632x64xf32, #tpu.memory_space<hbm>>
      %dma_start3A_23 = tpu.memref_squeeze %dma_start3A_22 : memref<1x632x64xf32, #tpu.memory_space<hbm>> -> memref<632x64xf32, #tpu.memory_space<hbm>>
      tpu.enqueue_dma source(%dma_start3A_23 : memref<632x64xf32, #tpu.memory_space<hbm>>) target(%dma_start3A_20 : memref<632x64xf32, #tpu.memory_space<vmem_shared>>) target_semaphore(%run_scoped3A : memref<!tpu.dma_semaphore, #tpu.memory_space<semaphore_mem>>)
      %dma_wait3A = arith.constant 0 : i32
      %dma_wait3A_24 = tpu.memref_slice %arg11[%mul3A_0, %dma_wait3A] : memref<10112x64xf32, #tpu.memory_space<vmem_shared>> -> memref<632x64xf32, #tpu.memory_space<vmem_shared>>
      %dma_wait3A_25 = arith.constant 0 : i32
      %dma_wait3A_26 = tpu.memref_slice %arg2[%arg0, %mul3A_0, %dma_wait3A_25] : memref<2x10112x64xf32, #tpu.memory_space<hbm>> -> memref<1x632x64xf32, #tpu.memory_space<hbm>>
      %dma_wait3A_27 = tpu.memref_squeeze %dma_wait3A_26 : memref<1x632x64xf32, #tpu.memory_space<hbm>> -> memref<632x64xf32, #tpu.memory_space<hbm>>
      tpu.wait_dma2 semaphore(%run_scoped3A : memref<!tpu.dma_semaphore, #tpu.memory_space<semaphore_mem>>) src(%dma_wait3A_27 : memref<632x64xf32, #tpu.memory_space<hbm>>) dst(%dma_wait3A_24 : memref<632x64xf32, #tpu.memory_space<vmem_shared>>)
      tpu.yield
    }) : () -> ()
    %barrier3A = arith.constant 0 : index
    tpu.barrier barrier_id(%barrier3A)
    %dma_start3A = arith.constant 0 : i32
    %dma_start3A_1 = arith.constant 0 : i32
    %dma_start3A_2 = tpu.memref_slice %arg7[%dma_start3A, %dma_start3A_1] : memref<160x128xi32, #tpu.memory_space<vmem>> -> memref<1x128xi32, #tpu.memory_space<vmem>>
    %dma_start3A_3 = tpu.memref_squeeze %dma_start3A_2 : memref<1x128xi32, #tpu.memory_space<vmem>> -> memref<128xi32, #tpu.memory_space<vmem>>
    %dma_start3A_4 = arith.constant 0 : i32
    %dma_start3A_5 = arith.constant 0 : i32
    %dma_start3A_6 = tpu.memref_slice %arg11[%dma_start3A_4, %dma_start3A_5] : memref<10112x64xf32, #tpu.memory_space<vmem_shared>> -> memref<10112x64xf32, #tpu.memory_space<vmem_shared>>
    tpu.enqueue_indirect_dma source(%dma_start3A_6 : memref<10112x64xf32, #tpu.memory_space<vmem_shared>>) target(%arg9 : memref<128x64xf32, #tpu.memory_space<vmem>>) offsets(%dma_start3A_3 : memref<128xi32, #tpu.memory_space<vmem>>) semaphore(%arg13 : memref<!tpu.dma_semaphore, #tpu.memory_space<semaphore_mem>>)
    %scan3A = arith.constant 0 : i32
    %scan3A_7 = arith.constant 0 : i32
    %scan3A_8 = arith.constant 40 : i32
    %scan3A_9 = arith.addi %scan3A_7, %scan3A_8 : i32
    %scan3A_10 = arith.constant 1 : i32
    scf.for %scan3A_19 = %scan3A_7 to %scan3A_9 step %scan3A_10  : i32 {
      %mul3A_20 = arith.constant 2 : i32
      %mul3A_21 = arith.muli %mul3A_20, %scan3A_19 : i32
      %add3A = arith.constant 0 : i32
      %add3A_22 = arith.addi %add3A, %mul3A_21 : i32
      %add3A_23 = arith.constant 1 : i32
      %add3A_24 = arith.addi %add3A_22, %add3A_23 : i32
      %dma_start3A_25 = arith.constant 0 : i32
      %dma_start3A_26 = tpu.memref_slice %arg7[%add3A_24, %dma_start3A_25] : memref<160x128xi32, #tpu.memory_space<vmem>> -> memref<1x128xi32, #tpu.memory_space<vmem>>
      %dma_start3A_27 = tpu.memref_squeeze %dma_start3A_26 : memref<1x128xi32, #tpu.memory_space<vmem>> -> memref<128xi32, #tpu.memory_space<vmem>>
      %dma_start3A_28 = arith.constant 0 : i32
      %dma_start3A_29 = arith.constant 0 : i32
      %dma_start3A_30 = tpu.memref_slice %arg11[%dma_start3A_28, %dma_start3A_29] : memref<10112x64xf32, #tpu.memory_space<vmem_shared>> -> memref<10112x64xf32, #tpu.memory_space<vmem_shared>>
      tpu.enqueue_indirect_dma source(%dma_start3A_30 : memref<10112x64xf32, #tpu.memory_space<vmem_shared>>) target(%arg10 : memref<128x64xf32, #tpu.memory_space<vmem>>) offsets(%dma_start3A_27 : memref<128xi32, #tpu.memory_space<vmem>>) semaphore(%arg14 : memref<!tpu.dma_semaphore, #tpu.memory_space<semaphore_mem>>)
      %dma_wait3A = arith.constant 0 : i32
      %dma_wait3A_31 = tpu.memref_slice %arg7[%add3A_22, %dma_wait3A] : memref<160x128xi32, #tpu.memory_space<vmem>> -> memref<1x128xi32, #tpu.memory_space<vmem>>
      %dma_wait3A_32 = tpu.memref_squeeze %dma_wait3A_31 : memref<1x128xi32, #tpu.memory_space<vmem>> -> memref<128xi32, #tpu.memory_space<vmem>>
      %dma_wait3A_33 = arith.constant 0 : i32
      %dma_wait3A_34 = arith.constant 0 : i32
      %dma_wait3A_35 = tpu.memref_slice %arg11[%dma_wait3A_33, %dma_wait3A_34] : memref<10112x64xf32, #tpu.memory_space<vmem_shared>> -> memref<10112x64xf32, #tpu.memory_space<vmem_shared>>
      tpu.wait_indirect_dma semaphore(%arg13 : memref<!tpu.dma_semaphore, #tpu.memory_space<semaphore_mem>>) src(%dma_wait3A_35 : memref<10112x64xf32, #tpu.memory_space<vmem_shared>>) dst(%arg9 : memref<128x64xf32, #tpu.memory_space<vmem>>)
      %mul3A_36 = arith.constant 2 : i32
      %mul3A_37 = arith.muli %mul3A_36, %scan3A_19 : i32
      "tpu.region"() ({
        %run_scoped3A = tpu.sem_alloc : memref<!tpu.dma_semaphore, #tpu.memory_space<semaphore_mem>>
        %dma_start3A_54 = arith.constant 0 : i32
        %dma_start3A_55 = tpu.memref_slice %arg8[%mul3A_37, %dma_start3A_54] : memref<80x128xi32, #tpu.memory_space<vmem>> -> memref<1x128xi32, #tpu.memory_space<vmem>>
        %dma_start3A_56 = tpu.memref_squeeze %dma_start3A_55 : memref<1x128xi32, #tpu.memory_space<vmem>> -> memref<128xi32, #tpu.memory_space<vmem>>
        %dma_start3A_57 = arith.constant 0 : i32
        %dma_start3A_58 = arith.constant 0 : i32
        %dma_start3A_59 = tpu.memref_slice %arg12[%dma_start3A_57, %dma_start3A_58] : memref<10112x64xf32, #tpu.memory_space<vmem_shared>> -> memref<10112x64xf32, #tpu.memory_space<vmem_shared>>
        tpu.enqueue_indirect_dma source(%arg9 : memref<128x64xf32, #tpu.memory_space<vmem>>) target(%dma_start3A_59 : memref<10112x64xf32, #tpu.memory_space<vmem_shared>>) offsets(%dma_start3A_56 : memref<128xi32, #tpu.memory_space<vmem>>) semaphore(%run_scoped3A : memref<!tpu.dma_semaphore, #tpu.memory_space<semaphore_mem>>) {add = true}
        %dma_wait3A_60 = arith.constant 0 : i32
        %dma_wait3A_61 = tpu.memref_slice %arg8[%mul3A_37, %dma_wait3A_60] : memref<80x128xi32, #tpu.memory_space<vmem>> -> memref<1x128xi32, #tpu.memory_space<vmem>>
        %dma_wait3A_62 = tpu.memref_squeeze %dma_wait3A_61 : memref<1x128xi32, #tpu.memory_space<vmem>> -> memref<128xi32, #tpu.memory_space<vmem>>
        %dma_wait3A_63 = arith.constant 0 : i32
        %dma_wait3A_64 = arith.constant 0 : i32
        %dma_wait3A_65 = tpu.memref_slice %arg12[%dma_wait3A_63, %dma_wait3A_64] : memref<10112x64xf32, #tpu.memory_space<vmem_shared>> -> memref<10112x64xf32, #tpu.memory_space<vmem_shared>>
        tpu.wait_indirect_dma semaphore(%run_scoped3A : memref<!tpu.dma_semaphore, #tpu.memory_space<semaphore_mem>>) src(%arg9 : memref<128x64xf32, #tpu.memory_space<vmem>>) dst(%dma_wait3A_65 : memref<10112x64xf32, #tpu.memory_space<vmem_shared>>)
        tpu.yield
      }) : () -> ()
      %add3A_38 = arith.constant 2 : i32
      %add3A_39 = arith.addi %add3A_22, %add3A_38 : i32
      %lt3A = arith.constant 160 : i32
      %lt3A_40 = arith.cmpi slt, %add3A_39, %lt3A : i32
      %convert_element_type3A = arith.extui %lt3A_40 : i1 to i32
      %cond3A = arith.constant 0 : i32
      %cond3A_41 = arith.cmpi ne, %convert_element_type3A, %cond3A : i32
      scf.if %cond3A_41 {
        %add3A_54 = arith.constant 2 : i32
        %add3A_55 = arith.addi %add3A_22, %add3A_54 : i32
        %dma_start3A_56 = arith.constant 0 : i32
        %dma_start3A_57 = tpu.memref_slice %arg7[%add3A_55, %dma_start3A_56] : memref<160x128xi32, #tpu.memory_space<vmem>> -> memref<1x128xi32, #tpu.memory_space<vmem>>
        %dma_start3A_58 = tpu.memref_squeeze %dma_start3A_57 : memref<1x128xi32, #tpu.memory_space<vmem>> -> memref<128xi32, #tpu.memory_space<vmem>>
        %dma_start3A_59 = arith.constant 0 : i32
        %dma_start3A_60 = arith.constant 0 : i32
        %dma_start3A_61 = tpu.memref_slice %arg11[%dma_start3A_59, %dma_start3A_60] : memref<10112x64xf32, #tpu.memory_space<vmem_shared>> -> memref<10112x64xf32, #tpu.memory_space<vmem_shared>>
        tpu.enqueue_indirect_dma source(%dma_start3A_61 : memref<10112x64xf32, #tpu.memory_space<vmem_shared>>) target(%arg9 : memref<128x64xf32, #tpu.memory_space<vmem>>) offsets(%dma_start3A_58 : memref<128xi32, #tpu.memory_space<vmem>>) semaphore(%arg13 : memref<!tpu.dma_semaphore, #tpu.memory_space<semaphore_mem>>)
      } else {
      }
      %add3A_42 = arith.constant 1 : i32
      %add3A_43 = arith.addi %add3A_22, %add3A_42 : i32
      %dma_wait3A_44 = arith.constant 0 : i32
      %dma_wait3A_45 = tpu.memref_slice %arg7[%add3A_43, %dma_wait3A_44] : memref<160x128xi32, #tpu.memory_space<vmem>> -> memref<1x128xi32, #tpu.memory_space<vmem>>
      %dma_wait3A_46 = tpu.memref_squeeze %dma_wait3A_45 : memref<1x128xi32, #tpu.memory_space<vmem>> -> memref<128xi32, #tpu.memory_space<vmem>>
      %dma_wait3A_47 = arith.constant 0 : i32
      %dma_wait3A_48 = arith.constant 0 : i32
      %dma_wait3A_49 = tpu.memref_slice %arg11[%dma_wait3A_47, %dma_wait3A_48] : memref<10112x64xf32, #tpu.memory_space<vmem_shared>> -> memref<10112x64xf32, #tpu.memory_space<vmem_shared>>
      tpu.wait_indirect_dma semaphore(%arg14 : memref<!tpu.dma_semaphore, #tpu.memory_space<semaphore_mem>>) src(%dma_wait3A_49 : memref<10112x64xf32, #tpu.memory_space<vmem_shared>>) dst(%arg10 : memref<128x64xf32, #tpu.memory_space<vmem>>)
      %mul3A_50 = arith.constant 2 : i32
      %mul3A_51 = arith.muli %mul3A_50, %scan3A_19 : i32
      %add3A_52 = arith.constant 1 : i32
      %add3A_53 = arith.addi %mul3A_51, %add3A_52 : i32
      "tpu.region"() ({
        %run_scoped3A = tpu.sem_alloc : memref<!tpu.dma_semaphore, #tpu.memory_space<semaphore_mem>>
        %dma_start3A_54 = arith.constant 0 : i32
        %dma_start3A_55 = tpu.memref_slice %arg8[%add3A_53, %dma_start3A_54] : memref<80x128xi32, #tpu.memory_space<vmem>> -> memref<1x128xi32, #tpu.memory_space<vmem>>
        %dma_start3A_56 = tpu.memref_squeeze %dma_start3A_55 : memref<1x128xi32, #tpu.memory_space<vmem>> -> memref<128xi32, #tpu.memory_space<vmem>>
        %dma_start3A_57 = arith.constant 0 : i32
        %dma_start3A_58 = arith.constant 0 : i32
        %dma_start3A_59 = tpu.memref_slice %arg12[%dma_start3A_57, %dma_start3A_58] : memref<10112x64xf32, #tpu.memory_space<vmem_shared>> -> memref<10112x64xf32, #tpu.memory_space<vmem_shared>>
        tpu.enqueue_indirect_dma source(%arg10 : memref<128x64xf32, #tpu.memory_space<vmem>>) target(%dma_start3A_59 : memref<10112x64xf32, #tpu.memory_space<vmem_shared>>) offsets(%dma_start3A_56 : memref<128xi32, #tpu.memory_space<vmem>>) semaphore(%run_scoped3A : memref<!tpu.dma_semaphore, #tpu.memory_space<semaphore_mem>>) {add = true}
        %dma_wait3A_60 = arith.constant 0 : i32
        %dma_wait3A_61 = tpu.memref_slice %arg8[%add3A_53, %dma_wait3A_60] : memref<80x128xi32, #tpu.memory_space<vmem>> -> memref<1x128xi32, #tpu.memory_space<vmem>>
        %dma_wait3A_62 = tpu.memref_squeeze %dma_wait3A_61 : memref<1x128xi32, #tpu.memory_space<vmem>> -> memref<128xi32, #tpu.memory_space<vmem>>
        %dma_wait3A_63 = arith.constant 0 : i32
        %dma_wait3A_64 = arith.constant 0 : i32
        %dma_wait3A_65 = tpu.memref_slice %arg12[%dma_wait3A_63, %dma_wait3A_64] : memref<10112x64xf32, #tpu.memory_space<vmem_shared>> -> memref<10112x64xf32, #tpu.memory_space<vmem_shared>>
        tpu.wait_indirect_dma semaphore(%run_scoped3A : memref<!tpu.dma_semaphore, #tpu.memory_space<semaphore_mem>>) src(%arg10 : memref<128x64xf32, #tpu.memory_space<vmem>>) dst(%dma_wait3A_65 : memref<10112x64xf32, #tpu.memory_space<vmem_shared>>)
        tpu.yield
      }) : () -> ()
    }
    %scan3A_11 = arith.constant 40 : i32
    "tpu.region"() ({
      %run_scoped3A = tpu.sem_alloc : memref<!tpu.dma_semaphore, #tpu.memory_space<semaphore_mem>>
      %dma_start3A_19 = arith.constant 80 : i32
      %dma_start3A_20 = arith.constant 0 : i32
      %dma_start3A_21 = tpu.memref_slice %arg4[%arg1, %dma_start3A_19, %dma_start3A_20] : memref<16x160x128xi32, #tpu.memory_space<hbm>> -> memref<1x80x128xi32, #tpu.memory_space<hbm>>
      %dma_start3A_22 = tpu.memref_squeeze %dma_start3A_21 : memref<1x80x128xi32, #tpu.memory_space<hbm>> -> memref<80x128xi32, #tpu.memory_space<hbm>>
      %dma_start3A_23 = arith.constant 80 : i32
      %dma_start3A_24 = arith.constant 0 : i32
      %dma_start3A_25 = tpu.memref_slice %arg4[%arg1, %dma_start3A_23, %dma_start3A_24] : memref<16x160x128xi32, #tpu.memory_space<hbm>> -> memref<1x80x128xi32, #tpu.memory_space<hbm>>
      %dma_start3A_26 = tpu.memref_squeeze %dma_start3A_25 : memref<1x80x128xi32, #tpu.memory_space<hbm>> -> memref<80x128xi32, #tpu.memory_space<hbm>>
      tpu.enqueue_dma source(%dma_start3A_26 : memref<80x128xi32, #tpu.memory_space<hbm>>) target(%arg8 : memref<80x128xi32, #tpu.memory_space<vmem>>) target_semaphore(%run_scoped3A : memref<!tpu.dma_semaphore, #tpu.memory_space<semaphore_mem>>)
      %dma_wait3A = arith.constant 80 : i32
      %dma_wait3A_27 = arith.constant 0 : i32
      %dma_wait3A_28 = tpu.memref_slice %arg4[%arg1, %dma_wait3A, %dma_wait3A_27] : memref<16x160x128xi32, #tpu.memory_space<hbm>> -> memref<1x80x128xi32, #tpu.memory_space<hbm>>
      %dma_wait3A_29 = tpu.memref_squeeze %dma_wait3A_28 : memref<1x80x128xi32, #tpu.memory_space<hbm>> -> memref<80x128xi32, #tpu.memory_space<hbm>>
      %dma_wait3A_30 = arith.constant 80 : i32
      %dma_wait3A_31 = arith.constant 0 : i32
      %dma_wait3A_32 = tpu.memref_slice %arg4[%arg1, %dma_wait3A_30, %dma_wait3A_31] : memref<16x160x128xi32, #tpu.memory_space<hbm>> -> memref<1x80x128xi32, #tpu.memory_space<hbm>>
      %dma_wait3A_33 = tpu.memref_squeeze %dma_wait3A_32 : memref<1x80x128xi32, #tpu.memory_space<hbm>> -> memref<80x128xi32, #tpu.memory_space<hbm>>
      tpu.wait_dma2 semaphore(%run_scoped3A : memref<!tpu.dma_semaphore, #tpu.memory_space<semaphore_mem>>) src(%dma_wait3A_33 : memref<80x128xi32, #tpu.memory_space<hbm>>) dst(%arg8 : memref<80x128xi32, #tpu.memory_space<vmem>>)
      tpu.yield
    }) : () -> ()
    %scan3A_12 = arith.constant 0 : i32
    %scan3A_13 = arith.constant 0 : i32
    %scan3A_14 = arith.constant 40 : i32
    %scan3A_15 = arith.addi %scan3A_13, %scan3A_14 : i32
    %scan3A_16 = arith.constant 1 : i32
    scf.for %scan3A_19 = %scan3A_13 to %scan3A_15 step %scan3A_16  : i32 {
      %mul3A_20 = arith.constant 2 : i32
      %mul3A_21 = arith.muli %mul3A_20, %scan3A_19 : i32
      %add3A = arith.constant 80 : i32
      %add3A_22 = arith.addi %add3A, %mul3A_21 : i32
      %add3A_23 = arith.constant 1 : i32
      %add3A_24 = arith.addi %add3A_22, %add3A_23 : i32
      %dma_start3A_25 = arith.constant 0 : i32
      %dma_start3A_26 = tpu.memref_slice %arg7[%add3A_24, %dma_start3A_25] : memref<160x128xi32, #tpu.memory_space<vmem>> -> memref<1x128xi32, #tpu.memory_space<vmem>>
      %dma_start3A_27 = tpu.memref_squeeze %dma_start3A_26 : memref<1x128xi32, #tpu.memory_space<vmem>> -> memref<128xi32, #tpu.memory_space<vmem>>
      %dma_start3A_28 = arith.constant 0 : i32
      %dma_start3A_29 = arith.constant 0 : i32
      %dma_start3A_30 = tpu.memref_slice %arg11[%dma_start3A_28, %dma_start3A_29] : memref<10112x64xf32, #tpu.memory_space<vmem_shared>> -> memref<10112x64xf32, #tpu.memory_space<vmem_shared>>
      tpu.enqueue_indirect_dma source(%dma_start3A_30 : memref<10112x64xf32, #tpu.memory_space<vmem_shared>>) target(%arg10 : memref<128x64xf32, #tpu.memory_space<vmem>>) offsets(%dma_start3A_27 : memref<128xi32, #tpu.memory_space<vmem>>) semaphore(%arg14 : memref<!tpu.dma_semaphore, #tpu.memory_space<semaphore_mem>>)
      %dma_wait3A = arith.constant 0 : i32
      %dma_wait3A_31 = tpu.memref_slice %arg7[%add3A_22, %dma_wait3A] : memref<160x128xi32, #tpu.memory_space<vmem>> -> memref<1x128xi32, #tpu.memory_space<vmem>>
      %dma_wait3A_32 = tpu.memref_squeeze %dma_wait3A_31 : memref<1x128xi32, #tpu.memory_space<vmem>> -> memref<128xi32, #tpu.memory_space<vmem>>
      %dma_wait3A_33 = arith.constant 0 : i32
      %dma_wait3A_34 = arith.constant 0 : i32
      %dma_wait3A_35 = tpu.memref_slice %arg11[%dma_wait3A_33, %dma_wait3A_34] : memref<10112x64xf32, #tpu.memory_space<vmem_shared>> -> memref<10112x64xf32, #tpu.memory_space<vmem_shared>>
      tpu.wait_indirect_dma semaphore(%arg13 : memref<!tpu.dma_semaphore, #tpu.memory_space<semaphore_mem>>) src(%dma_wait3A_35 : memref<10112x64xf32, #tpu.memory_space<vmem_shared>>) dst(%arg9 : memref<128x64xf32, #tpu.memory_space<vmem>>)
      %mul3A_36 = arith.constant 2 : i32
      %mul3A_37 = arith.muli %mul3A_36, %scan3A_19 : i32
      "tpu.region"() ({
        %run_scoped3A = tpu.sem_alloc : memref<!tpu.dma_semaphore, #tpu.memory_space<semaphore_mem>>
        %dma_start3A_54 = arith.constant 0 : i32
        %dma_start3A_55 = tpu.memref_slice %arg8[%mul3A_37, %dma_start3A_54] : memref<80x128xi32, #tpu.memory_space<vmem>> -> memref<1x128xi32, #tpu.memory_space<vmem>>
        %dma_start3A_56 = tpu.memref_squeeze %dma_start3A_55 : memref<1x128xi32, #tpu.memory_space<vmem>> -> memref<128xi32, #tpu.memory_space<vmem>>
        %dma_start3A_57 = arith.constant 0 : i32
        %dma_start3A_58 = arith.constant 0 : i32
        %dma_start3A_59 = tpu.memref_slice %arg12[%dma_start3A_57, %dma_start3A_58] : memref<10112x64xf32, #tpu.memory_space<vmem_shared>> -> memref<10112x64xf32, #tpu.memory_space<vmem_shared>>
        tpu.enqueue_indirect_dma source(%arg9 : memref<128x64xf32, #tpu.memory_space<vmem>>) target(%dma_start3A_59 : memref<10112x64xf32, #tpu.memory_space<vmem_shared>>) offsets(%dma_start3A_56 : memref<128xi32, #tpu.memory_space<vmem>>) semaphore(%run_scoped3A : memref<!tpu.dma_semaphore, #tpu.memory_space<semaphore_mem>>) {add = true}
        %dma_wait3A_60 = arith.constant 0 : i32
        %dma_wait3A_61 = tpu.memref_slice %arg8[%mul3A_37, %dma_wait3A_60] : memref<80x128xi32, #tpu.memory_space<vmem>> -> memref<1x128xi32, #tpu.memory_space<vmem>>
        %dma_wait3A_62 = tpu.memref_squeeze %dma_wait3A_61 : memref<1x128xi32, #tpu.memory_space<vmem>> -> memref<128xi32, #tpu.memory_space<vmem>>
        %dma_wait3A_63 = arith.constant 0 : i32
        %dma_wait3A_64 = arith.constant 0 : i32
        %dma_wait3A_65 = tpu.memref_slice %arg12[%dma_wait3A_63, %dma_wait3A_64] : memref<10112x64xf32, #tpu.memory_space<vmem_shared>> -> memref<10112x64xf32, #tpu.memory_space<vmem_shared>>
        tpu.wait_indirect_dma semaphore(%run_scoped3A : memref<!tpu.dma_semaphore, #tpu.memory_space<semaphore_mem>>) src(%arg9 : memref<128x64xf32, #tpu.memory_space<vmem>>) dst(%dma_wait3A_65 : memref<10112x64xf32, #tpu.memory_space<vmem_shared>>)
        tpu.yield
      }) : () -> ()
      %add3A_38 = arith.constant 2 : i32
      %add3A_39 = arith.addi %add3A_22, %add3A_38 : i32
      %lt3A = arith.constant 160 : i32
      %lt3A_40 = arith.cmpi slt, %add3A_39, %lt3A : i32
      %convert_element_type3A = arith.extui %lt3A_40 : i1 to i32
      %cond3A = arith.constant 0 : i32
      %cond3A_41 = arith.cmpi ne, %convert_element_type3A, %cond3A : i32
      scf.if %cond3A_41 {
        %add3A_54 = arith.constant 2 : i32
        %add3A_55 = arith.addi %add3A_22, %add3A_54 : i32
        %dma_start3A_56 = arith.constant 0 : i32
        %dma_start3A_57 = tpu.memref_slice %arg7[%add3A_55, %dma_start3A_56] : memref<160x128xi32, #tpu.memory_space<vmem>> -> memref<1x128xi32, #tpu.memory_space<vmem>>
        %dma_start3A_58 = tpu.memref_squeeze %dma_start3A_57 : memref<1x128xi32, #tpu.memory_space<vmem>> -> memref<128xi32, #tpu.memory_space<vmem>>
        %dma_start3A_59 = arith.constant 0 : i32
        %dma_start3A_60 = arith.constant 0 : i32
        %dma_start3A_61 = tpu.memref_slice %arg11[%dma_start3A_59, %dma_start3A_60] : memref<10112x64xf32, #tpu.memory_space<vmem_shared>> -> memref<10112x64xf32, #tpu.memory_space<vmem_shared>>
        tpu.enqueue_indirect_dma source(%dma_start3A_61 : memref<10112x64xf32, #tpu.memory_space<vmem_shared>>) target(%arg9 : memref<128x64xf32, #tpu.memory_space<vmem>>) offsets(%dma_start3A_58 : memref<128xi32, #tpu.memory_space<vmem>>) semaphore(%arg13 : memref<!tpu.dma_semaphore, #tpu.memory_space<semaphore_mem>>)
      } else {
      }
      %add3A_42 = arith.constant 1 : i32
      %add3A_43 = arith.addi %add3A_22, %add3A_42 : i32
      %dma_wait3A_44 = arith.constant 0 : i32
      %dma_wait3A_45 = tpu.memref_slice %arg7[%add3A_43, %dma_wait3A_44] : memref<160x128xi32, #tpu.memory_space<vmem>> -> memref<1x128xi32, #tpu.memory_space<vmem>>
      %dma_wait3A_46 = tpu.memref_squeeze %dma_wait3A_45 : memref<1x128xi32, #tpu.memory_space<vmem>> -> memref<128xi32, #tpu.memory_space<vmem>>
      %dma_wait3A_47 = arith.constant 0 : i32
      %dma_wait3A_48 = arith.constant 0 : i32
      %dma_wait3A_49 = tpu.memref_slice %arg11[%dma_wait3A_47, %dma_wait3A_48] : memref<10112x64xf32, #tpu.memory_space<vmem_shared>> -> memref<10112x64xf32, #tpu.memory_space<vmem_shared>>
      tpu.wait_indirect_dma semaphore(%arg14 : memref<!tpu.dma_semaphore, #tpu.memory_space<semaphore_mem>>) src(%dma_wait3A_49 : memref<10112x64xf32, #tpu.memory_space<vmem_shared>>) dst(%arg10 : memref<128x64xf32, #tpu.memory_space<vmem>>)
      %mul3A_50 = arith.constant 2 : i32
      %mul3A_51 = arith.muli %mul3A_50, %scan3A_19 : i32
      %add3A_52 = arith.constant 1 : i32
      %add3A_53 = arith.addi %mul3A_51, %add3A_52 : i32
      "tpu.region"() ({
        %run_scoped3A = tpu.sem_alloc : memref<!tpu.dma_semaphore, #tpu.memory_space<semaphore_mem>>
        %dma_start3A_54 = arith.constant 0 : i32
        %dma_start3A_55 = tpu.memref_slice %arg8[%add3A_53, %dma_start3A_54] : memref<80x128xi32, #tpu.memory_space<vmem>> -> memref<1x128xi32, #tpu.memory_space<vmem>>
        %dma_start3A_56 = tpu.memref_squeeze %dma_start3A_55 : memref<1x128xi32, #tpu.memory_space<vmem>> -> memref<128xi32, #tpu.memory_space<vmem>>
        %dma_start3A_57 = arith.constant 0 : i32
        %dma_start3A_58 = arith.constant 0 : i32
        %dma_start3A_59 = tpu.memref_slice %arg12[%dma_start3A_57, %dma_start3A_58] : memref<10112x64xf32, #tpu.memory_space<vmem_shared>> -> memref<10112x64xf32, #tpu.memory_space<vmem_shared>>
        tpu.enqueue_indirect_dma source(%arg10 : memref<128x64xf32, #tpu.memory_space<vmem>>) target(%dma_start3A_59 : memref<10112x64xf32, #tpu.memory_space<vmem_shared>>) offsets(%dma_start3A_56 : memref<128xi32, #tpu.memory_space<vmem>>) semaphore(%run_scoped3A : memref<!tpu.dma_semaphore, #tpu.memory_space<semaphore_mem>>) {add = true}
        %dma_wait3A_60 = arith.constant 0 : i32
        %dma_wait3A_61 = tpu.memref_slice %arg8[%add3A_53, %dma_wait3A_60] : memref<80x128xi32, #tpu.memory_space<vmem>> -> memref<1x128xi32, #tpu.memory_space<vmem>>
        %dma_wait3A_62 = tpu.memref_squeeze %dma_wait3A_61 : memref<1x128xi32, #tpu.memory_space<vmem>> -> memref<128xi32, #tpu.memory_space<vmem>>
        %dma_wait3A_63 = arith.constant 0 : i32
        %dma_wait3A_64 = arith.constant 0 : i32
        %dma_wait3A_65 = tpu.memref_slice %arg12[%dma_wait3A_63, %dma_wait3A_64] : memref<10112x64xf32, #tpu.memory_space<vmem_shared>> -> memref<10112x64xf32, #tpu.memory_space<vmem_shared>>
        tpu.wait_indirect_dma semaphore(%run_scoped3A : memref<!tpu.dma_semaphore, #tpu.memory_space<semaphore_mem>>) src(%arg10 : memref<128x64xf32, #tpu.memory_space<vmem>>) dst(%dma_wait3A_65 : memref<10112x64xf32, #tpu.memory_space<vmem_shared>>)
        tpu.yield
      }) : () -> ()
    }
    %scan3A_17 = arith.constant 40 : i32
    %barrier3A_18 = arith.constant 0 : index
    tpu.barrier barrier_id(%barrier3A_18)
    "tpu.region"() ({
      %run_scoped3A = tpu.sem_alloc : memref<!tpu.dma_semaphore, #tpu.memory_space<semaphore_mem>>
      %dma_start3A_19 = arith.constant 0 : i32
      %dma_start3A_20 = tpu.memref_slice %arg6[%arg0, %mul3A_0, %dma_start3A_19] : memref<2x10112x64xf32, #tpu.memory_space<hbm>> -> memref<1x632x64xf32, #tpu.memory_space<hbm>>
      %dma_start3A_21 = tpu.memref_squeeze %dma_start3A_20 : memref<1x632x64xf32, #tpu.memory_space<hbm>> -> memref<632x64xf32, #tpu.memory_space<hbm>>
      %dma_start3A_22 = arith.constant 0 : i32
      %dma_start3A_23 = tpu.memref_slice %arg12[%mul3A_0, %dma_start3A_22] : memref<10112x64xf32, #tpu.memory_space<vmem_shared>> -> memref<632x64xf32, #tpu.memory_space<vmem_shared>>
      tpu.enqueue_dma source(%dma_start3A_23 : memref<632x64xf32, #tpu.memory_space<vmem_shared>>) target(%dma_start3A_21 : memref<632x64xf32, #tpu.memory_space<hbm>>) target_semaphore(%run_scoped3A : memref<!tpu.dma_semaphore, #tpu.memory_space<semaphore_mem>>)
      %dma_wait3A = arith.constant 0 : i32
      %dma_wait3A_24 = tpu.memref_slice %arg6[%arg0, %mul3A_0, %dma_wait3A] : memref<2x10112x64xf32, #tpu.memory_space<hbm>> -> memref<1x632x64xf32, #tpu.memory_space<hbm>>
      %dma_wait3A_25 = tpu.memref_squeeze %dma_wait3A_24 : memref<1x632x64xf32, #tpu.memory_space<hbm>> -> memref<632x64xf32, #tpu.memory_space<hbm>>
      %dma_wait3A_26 = arith.constant 0 : i32
      %dma_wait3A_27 = tpu.memref_slice %arg12[%mul3A_0, %dma_wait3A_26] : memref<10112x64xf32, #tpu.memory_space<vmem_shared>> -> memref<632x64xf32, #tpu.memory_space<vmem_shared>>
      tpu.wait_dma2 semaphore(%run_scoped3A : memref<!tpu.dma_semaphore, #tpu.memory_space<semaphore_mem>>) src(%dma_wait3A_27 : memref<632x64xf32, #tpu.memory_space<vmem_shared>>) dst(%dma_wait3A_25 : memref<632x64xf32, #tpu.memory_space<hbm>>)
      tpu.yield
    }) : () -> ()
    return
  }
}

#map = affine_map<(d0, d1) -> (0, 0, 0)>
#map1 = affine_map<(d0, d1) -> (0, 0)>
module attributes {stable_mosaic.version = 14 : i64} {
  func.func @body(%arg0: i32, %arg1: i32, %arg2: memref<2x10112x64xf32, #tpu.memory_space<hbm>>, %arg3: memref<16x160x128xi32, #tpu.memory_space<hbm>>, %arg4: memref<16x160x128xi32, #tpu.memory_space<hbm>>, %arg5: memref<632x64xf32, #tpu.memory_space<hbm>>, %arg6: memref<2x10112x64xf32, #tpu.memory_space<hbm>>, %arg7: memref<160x128xi32, #tpu.memory_space<vmem>>, %arg8: memref<80x128xi32, #tpu.memory_space<vmem>>, %arg9: memref<128x64xf32, #tpu.memory_space<vmem>>, %arg10: memref<128x64xf32, #tpu.memory_space<vmem>>, %arg11: memref<10112x64xf32, #tpu.memory_space<vmem_shared>>, %arg12: memref<10112x64xf32, #tpu.memory_space<vmem_shared>>, %arg13: memref<!tpu.dma_semaphore, #tpu.memory_space<semaphore_mem>>, %arg14: memref<!tpu.dma_semaphore, #tpu.memory_space<semaphore_mem>>) attributes {dimension_semantics = [#tpu.dimension_semantics<core_parallel>, #tpu.dimension_semantics<subcore_parallel>], iteration_bounds = array<i64: 2, 16>, scalar_prefetch = 0 : i64, scratch_operands = 8 : i64, tpu.core_type = #tpu.core_type<sc_vector_subcore>, window_params = [{transform_indices = #map}, {transform_indices = #map}, {transform_indices = #map}, {transform_indices = #map1}, {transform_indices = #map}]} {
    "tpu.region"() ({
      %run_scoped3A = tpu.sem_alloc : memref<!tpu.dma_semaphore, #tpu.memory_space<semaphore_mem>>
      %dma_start3A_19 = arith.constant 0 : i32
      %dma_start3A_20 = arith.constant 0 : i32
      %dma_start3A_21 = tpu.memref_slice %arg3[%arg1, %dma_start3A_19, %dma_start3A_20] : memref<16x160x128xi32, #tpu.memory_space<hbm>> -> memref<1x160x128xi32, #tpu.memory_space<hbm>>
      %dma_start3A_22 = tpu.memref_squeeze %dma_start3A_21 : memref<1x160x128xi32, #tpu.memory_space<hbm>> -> memref<160x128xi32, #tpu.memory_space<hbm>>
      %dma_start3A_23 = arith.constant 0 : i32
      %dma_start3A_24 = arith.constant 0 : i32
      %dma_start3A_25 = tpu.memref_slice %arg3[%arg1, %dma_start3A_23, %dma_start3A_24] : memref<16x160x128xi32, #tpu.memory_space<hbm>> -> memref<1x160x128xi32, #tpu.memory_space<hbm>>
      %dma_start3A_26 = tpu.memref_squeeze %dma_start3A_25 : memref<1x160x128xi32, #tpu.memory_space<hbm>> -> memref<160x128xi32, #tpu.memory_space<hbm>>
      tpu.enqueue_dma source(%dma_start3A_26 : memref<160x128xi32, #tpu.memory_space<hbm>>) target(%arg7 : memref<160x128xi32, #tpu.memory_space<vmem>>) target_semaphore(%run_scoped3A : memref<!tpu.dma_semaphore, #tpu.memory_space<semaphore_mem>>)
      %dma_wait3A = arith.constant 0 : i32
      %dma_wait3A_27 = arith.constant 0 : i32
      %dma_wait3A_28 = tpu.memref_slice %arg3[%arg1, %dma_wait3A, %dma_wait3A_27] : memref<16x160x128xi32, #tpu.memory_space<hbm>> -> memref<1x160x128xi32, #tpu.memory_space<hbm>>
      %dma_wait3A_29 = tpu.memref_squeeze %dma_wait3A_28 : memref<1x160x128xi32, #tpu.memory_space<hbm>> -> memref<160x128xi32, #tpu.memory_space<hbm>>
      %dma_wait3A_30 = arith.constant 0 : i32
      %dma_wait3A_31 = arith.constant 0 : i32
      %dma_wait3A_32 = tpu.memref_slice %arg3[%arg1, %dma_wait3A_30, %dma_wait3A_31] : memref<16x160x128xi32, #tpu.memory_space<hbm>> -> memref<1x160x128xi32, #tpu.memory_space<hbm>>
      %dma_wait3A_33 = tpu.memref_squeeze %dma_wait3A_32 : memref<1x160x128xi32, #tpu.memory_space<hbm>> -> memref<160x128xi32, #tpu.memory_space<hbm>>
      tpu.wait_dma2 semaphore(%run_scoped3A : memref<!tpu.dma_semaphore, #tpu.memory_space<semaphore_mem>>) src(%dma_wait3A_33 : memref<160x128xi32, #tpu.memory_space<hbm>>) dst(%arg7 : memref<160x128xi32, #tpu.memory_space<vmem>>)
      tpu.yield
    }) : () -> ()
    "tpu.region"() ({
      %run_scoped3A = tpu.sem_alloc : memref<!tpu.dma_semaphore, #tpu.memory_space<semaphore_mem>>
      %dma_start3A_19 = arith.constant 0 : i32
      %dma_start3A_20 = arith.constant 0 : i32
      %dma_start3A_21 = tpu.memref_slice %arg4[%arg1, %dma_start3A_19, %dma_start3A_20] : memref<16x160x128xi32, #tpu.memory_space<hbm>> -> memref<1x80x128xi32, #tpu.memory_space<hbm>>
      %dma_start3A_22 = tpu.memref_squeeze %dma_start3A_21 : memref<1x80x128xi32, #tpu.memory_space<hbm>> -> memref<80x128xi32, #tpu.memory_space<hbm>>
      %dma_start3A_23 = arith.constant 0 : i32
      %dma_start3A_24 = arith.constant 0 : i32
      %dma_start3A_25 = tpu.memref_slice %arg4[%arg1, %dma_start3A_23, %dma_start3A_24] : memref<16x160x128xi32, #tpu.memory_space<hbm>> -> memref<1x80x128xi32, #tpu.memory_space<hbm>>
      %dma_start3A_26 = tpu.memref_squeeze %dma_start3A_25 : memref<1x80x128xi32, #tpu.memory_space<hbm>> -> memref<80x128xi32, #tpu.memory_space<hbm>>
      tpu.enqueue_dma source(%dma_start3A_26 : memref<80x128xi32, #tpu.memory_space<hbm>>) target(%arg8 : memref<80x128xi32, #tpu.memory_space<vmem>>) target_semaphore(%run_scoped3A : memref<!tpu.dma_semaphore, #tpu.memory_space<semaphore_mem>>)
      %dma_wait3A = arith.constant 0 : i32
      %dma_wait3A_27 = arith.constant 0 : i32
      %dma_wait3A_28 = tpu.memref_slice %arg4[%arg1, %dma_wait3A, %dma_wait3A_27] : memref<16x160x128xi32, #tpu.memory_space<hbm>> -> memref<1x80x128xi32, #tpu.memory_space<hbm>>
      %dma_wait3A_29 = tpu.memref_squeeze %dma_wait3A_28 : memref<1x80x128xi32, #tpu.memory_space<hbm>> -> memref<80x128xi32, #tpu.memory_space<hbm>>
      %dma_wait3A_30 = arith.constant 0 : i32
      %dma_wait3A_31 = arith.constant 0 : i32
      %dma_wait3A_32 = tpu.memref_slice %arg4[%arg1, %dma_wait3A_30, %dma_wait3A_31] : memref<16x160x128xi32, #tpu.memory_space<hbm>> -> memref<1x80x128xi32, #tpu.memory_space<hbm>>
      %dma_wait3A_33 = tpu.memref_squeeze %dma_wait3A_32 : memref<1x80x128xi32, #tpu.memory_space<hbm>> -> memref<80x128xi32, #tpu.memory_space<hbm>>
      tpu.wait_dma2 semaphore(%run_scoped3A : memref<!tpu.dma_semaphore, #tpu.memory_space<semaphore_mem>>) src(%dma_wait3A_33 : memref<80x128xi32, #tpu.memory_space<hbm>>) dst(%arg8 : memref<80x128xi32, #tpu.memory_space<vmem>>)
      tpu.yield
    }) : () -> ()
    %mul3A = arith.constant 632 : i32
    %mul3A_0 = arith.muli %arg1, %mul3A : i32
    "tpu.region"() ({
      %run_scoped3A = tpu.sem_alloc : memref<!tpu.dma_semaphore, #tpu.memory_space<semaphore_mem>>
      %dma_start3A_19 = arith.constant 0 : i32
      %dma_start3A_20 = tpu.memref_slice %arg12[%mul3A_0, %dma_start3A_19] : memref<10112x64xf32, #tpu.memory_space<vmem_shared>> -> memref<632x64xf32, #tpu.memory_space<vmem_shared>>
      tpu.enqueue_dma source(%arg5 : memref<632x64xf32, #tpu.memory_space<hbm>>) target(%dma_start3A_20 : memref<632x64xf32, #tpu.memory_space<vmem_shared>>) target_semaphore(%run_scoped3A : memref<!tpu.dma_semaphore, #tpu.memory_space<semaphore_mem>>)
      %dma_wait3A = arith.constant 0 : i32
      %dma_wait3A_21 = tpu.memref_slice %arg12[%mul3A_0, %dma_wait3A] : memref<10112x64xf32, #tpu.memory_space<vmem_shared>> -> memref<632x64xf32, #tpu.memory_space<vmem_shared>>
      tpu.wait_dma2 semaphore(%run_scoped3A : memref<!tpu.dma_semaphore, #tpu.memory_space<semaphore_mem>>) src(%arg5 : memref<632x64xf32, #tpu.memory_space<hbm>>) dst(%dma_wait3A_21 : memref<632x64xf32, #tpu.memory_space<vmem_shared>>)
      tpu.yield
    }) : () -> ()
    "tpu.region"() ({
      %run_scoped3A = tpu.sem_alloc : memref<!tpu.dma_semaphore, #tpu.memory_space<semaphore_mem>>
      %dma_start3A_19 = arith.constant 0 : i32
      %dma_start3A_20 = tpu.memref_slice %arg11[%mul3A_0, %dma_start3A_19] : memref<10112x64xf32, #tpu.memory_space<vmem_shared>> -> memref<632x64xf32, #tpu.memory_space<vmem_shared>>
      %dma_start3A_21 = arith.constant 0 : i32
      %dma_start3A_22 = tpu.memref_slice %arg2[%arg0, %mul3A_0, %dma_start3A_21] : memref<2x10112x64xf32, #tpu.memory_space<hbm>> -> memref<1x632x64xf32, #tpu.memory_space<hbm>>
      %dma_start3A_23 = tpu.memref_squeeze %dma_start3A_22 : memref<1x632x64xf32, #tpu.memory_space<hbm>> -> memref<632x64xf32, #tpu.memory_space<hbm>>
      tpu.enqueue_dma source(%dma_start3A_23 : memref<632x64xf32, #tpu.memory_space<hbm>>) target(%dma_start3A_20 : memref<632x64xf32, #tpu.memory_space<vmem_shared>>) target_semaphore(%run_scoped3A : memref<!tpu.dma_semaphore, #tpu.memory_space<semaphore_mem>>)
      %dma_wait3A = arith.constant 0 : i32
      %dma_wait3A_24 = tpu.memref_slice %arg11[%mul3A_0, %dma_wait3A] : memref<10112x64xf32, #tpu.memory_space<vmem_shared>> -> memref<632x64xf32, #tpu.memory_space<vmem_shared>>
      %dma_wait3A_25 = arith.constant 0 : i32
      %dma_wait3A_26 = tpu.memref_slice %arg2[%arg0, %mul3A_0, %dma_wait3A_25] : memref<2x10112x64xf32, #tpu.memory_space<hbm>> -> memref<1x632x64xf32, #tpu.memory_space<hbm>>
      %dma_wait3A_27 = tpu.memref_squeeze %dma_wait3A_26 : memref<1x632x64xf32, #tpu.memory_space<hbm>> -> memref<632x64xf32, #tpu.memory_space<hbm>>
      tpu.wait_dma2 semaphore(%run_scoped3A : memref<!tpu.dma_semaphore, #tpu.memory_space<semaphore_mem>>) src(%dma_wait3A_27 : memref<632x64xf32, #tpu.memory_space<hbm>>) dst(%dma_wait3A_24 : memref<632x64xf32, #tpu.memory_space<vmem_shared>>)
      tpu.yield
    }) : () -> ()
    %barrier3A = arith.constant 0 : index
    tpu.barrier barrier_id(%barrier3A)
    %dma_start3A = arith.constant 0 : i32
    %dma_start3A_1 = arith.constant 0 : i32
    %dma_start3A_2 = tpu.memref_slice %arg7[%dma_start3A, %dma_start3A_1] : memref<160x128xi32, #tpu.memory_space<vmem>> -> memref<1x128xi32, #tpu.memory_space<vmem>>
    %dma_start3A_3 = tpu.memref_squeeze %dma_start3A_2 : memref<1x128xi32, #tpu.memory_space<vmem>> -> memref<128xi32, #tpu.memory_space<vmem>>
    %dma_start3A_4 = arith.constant 0 : i32
    %dma_start3A_5 = arith.constant 0 : i32
    %dma_start3A_6 = tpu.memref_slice %arg11[%dma_start3A_4, %dma_start3A_5] : memref<10112x64xf32, #tpu.memory_space<vmem_shared>> -> memref<10112x64xf32, #tpu.memory_space<vmem_shared>>
    tpu.enqueue_indirect_dma source(%dma_start3A_6 : memref<10112x64xf32, #tpu.memory_space<vmem_shared>>) target(%arg9 : memref<128x64xf32, #tpu.memory_space<vmem>>) offsets(%dma_start3A_3 : memref<128xi32, #tpu.memory_space<vmem>>) semaphore(%arg13 : memref<!tpu.dma_semaphore, #tpu.memory_space<semaphore_mem>>)
    %scan3A = arith.constant 0 : i32
    %scan3A_7 = arith.constant 0 : i32
    %scan3A_8 = arith.constant 40 : i32
    %scan3A_9 = arith.addi %scan3A_7, %scan3A_8 : i32
    %scan3A_10 = arith.constant 1 : i32
    scf.for %scan3A_19 = %scan3A_7 to %scan3A_9 step %scan3A_10  : i32 {
      %mul3A_20 = arith.constant 2 : i32
      %mul3A_21 = arith.muli %mul3A_20, %scan3A_19 : i32
      %add3A = arith.constant 0 : i32
      %add3A_22 = arith.addi %add3A, %mul3A_21 : i32
      %add3A_23 = arith.constant 1 : i32
      %add3A_24 = arith.addi %add3A_22, %add3A_23 : i32
      %dma_start3A_25 = arith.constant 0 : i32
      %dma_start3A_26 = tpu.memref_slice %arg7[%add3A_24, %dma_start3A_25] : memref<160x128xi32, #tpu.memory_space<vmem>> -> memref<1x128xi32, #tpu.memory_space<vmem>>
      %dma_start3A_27 = tpu.memref_squeeze %dma_start3A_26 : memref<1x128xi32, #tpu.memory_space<vmem>> -> memref<128xi32, #tpu.memory_space<vmem>>
      %dma_start3A_28 = arith.constant 0 : i32
      %dma_start3A_29 = arith.constant 0 : i32
      %dma_start3A_30 = tpu.memref_slice %arg11[%dma_start3A_28, %dma_start3A_29] : memref<10112x64xf32, #tpu.memory_space<vmem_shared>> -> memref<10112x64xf32, #tpu.memory_space<vmem_shared>>
      tpu.enqueue_indirect_dma source(%dma_start3A_30 : memref<10112x64xf32, #tpu.memory_space<vmem_shared>>) target(%arg10 : memref<128x64xf32, #tpu.memory_space<vmem>>) offsets(%dma_start3A_27 : memref<128xi32, #tpu.memory_space<vmem>>) semaphore(%arg14 : memref<!tpu.dma_semaphore, #tpu.memory_space<semaphore_mem>>)
      %dma_wait3A = arith.constant 0 : i32
      %dma_wait3A_31 = tpu.memref_slice %arg7[%add3A_22, %dma_wait3A] : memref<160x128xi32, #tpu.memory_space<vmem>> -> memref<1x128xi32, #tpu.memory_space<vmem>>
      %dma_wait3A_32 = tpu.memref_squeeze %dma_wait3A_31 : memref<1x128xi32, #tpu.memory_space<vmem>> -> memref<128xi32, #tpu.memory_space<vmem>>
      %dma_wait3A_33 = arith.constant 0 : i32
      %dma_wait3A_34 = arith.constant 0 : i32
      %dma_wait3A_35 = tpu.memref_slice %arg11[%dma_wait3A_33, %dma_wait3A_34] : memref<10112x64xf32, #tpu.memory_space<vmem_shared>> -> memref<10112x64xf32, #tpu.memory_space<vmem_shared>>
      tpu.wait_indirect_dma semaphore(%arg13 : memref<!tpu.dma_semaphore, #tpu.memory_space<semaphore_mem>>) src(%dma_wait3A_35 : memref<10112x64xf32, #tpu.memory_space<vmem_shared>>) dst(%arg9 : memref<128x64xf32, #tpu.memory_space<vmem>>)
      %mul3A_36 = arith.constant 2 : i32
      %mul3A_37 = arith.muli %mul3A_36, %scan3A_19 : i32
      "tpu.region"() ({
        %run_scoped3A = tpu.sem_alloc : memref<!tpu.dma_semaphore, #tpu.memory_space<semaphore_mem>>
        %dma_start3A_54 = arith.constant 0 : i32
        %dma_start3A_55 = tpu.memref_slice %arg8[%mul3A_37, %dma_start3A_54] : memref<80x128xi32, #tpu.memory_space<vmem>> -> memref<1x128xi32, #tpu.memory_space<vmem>>
        %dma_start3A_56 = tpu.memref_squeeze %dma_start3A_55 : memref<1x128xi32, #tpu.memory_space<vmem>> -> memref<128xi32, #tpu.memory_space<vmem>>
        %dma_start3A_57 = arith.constant 0 : i32
        %dma_start3A_58 = arith.constant 0 : i32
        %dma_start3A_59 = tpu.memref_slice %arg12[%dma_start3A_57, %dma_start3A_58] : memref<10112x64xf32, #tpu.memory_space<vmem_shared>> -> memref<10112x64xf32, #tpu.memory_space<vmem_shared>>
        tpu.enqueue_indirect_dma source(%arg9 : memref<128x64xf32, #tpu.memory_space<vmem>>) target(%dma_start3A_59 : memref<10112x64xf32, #tpu.memory_space<vmem_shared>>) offsets(%dma_start3A_56 : memref<128xi32, #tpu.memory_space<vmem>>) semaphore(%run_scoped3A : memref<!tpu.dma_semaphore, #tpu.memory_space<semaphore_mem>>) {add = true}
        %dma_wait3A_60 = arith.constant 0 : i32
        %dma_wait3A_61 = tpu.memref_slice %arg8[%mul3A_37, %dma_wait3A_60] : memref<80x128xi32, #tpu.memory_space<vmem>> -> memref<1x128xi32, #tpu.memory_space<vmem>>
        %dma_wait3A_62 = tpu.memref_squeeze %dma_wait3A_61 : memref<1x128xi32, #tpu.memory_space<vmem>> -> memref<128xi32, #tpu.memory_space<vmem>>
        %dma_wait3A_63 = arith.constant 0 : i32
        %dma_wait3A_64 = arith.constant 0 : i32
        %dma_wait3A_65 = tpu.memref_slice %arg12[%dma_wait3A_63, %dma_wait3A_64] : memref<10112x64xf32, #tpu.memory_space<vmem_shared>> -> memref<10112x64xf32, #tpu.memory_space<vmem_shared>>
        tpu.wait_indirect_dma semaphore(%run_scoped3A : memref<!tpu.dma_semaphore, #tpu.memory_space<semaphore_mem>>) src(%arg9 : memref<128x64xf32, #tpu.memory_space<vmem>>) dst(%dma_wait3A_65 : memref<10112x64xf32, #tpu.memory_space<vmem_shared>>)
        tpu.yield
      }) : () -> ()
      %add3A_38 = arith.constant 2 : i32
      %add3A_39 = arith.addi %add3A_22, %add3A_38 : i32
      %lt3A = arith.constant 160 : i32
      %lt3A_40 = arith.cmpi slt, %add3A_39, %lt3A : i32
      %convert_element_type3A = arith.extui %lt3A_40 : i1 to i32
      %cond3A = arith.constant 0 : i32
      %cond3A_41 = arith.cmpi ne, %convert_element_type3A, %cond3A : i32
      scf.if %cond3A_41 {
        %add3A_54 = arith.constant 2 : i32
        %add3A_55 = arith.addi %add3A_22, %add3A_54 : i32
        %dma_start3A_56 = arith.constant 0 : i32
        %dma_start3A_57 = tpu.memref_slice %arg7[%add3A_55, %dma_start3A_56] : memref<160x128xi32, #tpu.memory_space<vmem>> -> memref<1x128xi32, #tpu.memory_space<vmem>>
        %dma_start3A_58 = tpu.memref_squeeze %dma_start3A_57 : memref<1x128xi32, #tpu.memory_space<vmem>> -> memref<128xi32, #tpu.memory_space<vmem>>
        %dma_start3A_59 = arith.constant 0 : i32
        %dma_start3A_60 = arith.constant 0 : i32
        %dma_start3A_61 = tpu.memref_slice %arg11[%dma_start3A_59, %dma_start3A_60] : memref<10112x64xf32, #tpu.memory_space<vmem_shared>> -> memref<10112x64xf32, #tpu.memory_space<vmem_shared>>
        tpu.enqueue_indirect_dma source(%dma_start3A_61 : memref<10112x64xf32, #tpu.memory_space<vmem_shared>>) target(%arg9 : memref<128x64xf32, #tpu.memory_space<vmem>>) offsets(%dma_start3A_58 : memref<128xi32, #tpu.memory_space<vmem>>) semaphore(%arg13 : memref<!tpu.dma_semaphore, #tpu.memory_space<semaphore_mem>>)
      } else {
      }
      %add3A_42 = arith.constant 1 : i32
      %add3A_43 = arith.addi %add3A_22, %add3A_42 : i32
      %dma_wait3A_44 = arith.constant 0 : i32
      %dma_wait3A_45 = tpu.memref_slice %arg7[%add3A_43, %dma_wait3A_44] : memref<160x128xi32, #tpu.memory_space<vmem>> -> memref<1x128xi32, #tpu.memory_space<vmem>>
      %dma_wait3A_46 = tpu.memref_squeeze %dma_wait3A_45 : memref<1x128xi32, #tpu.memory_space<vmem>> -> memref<128xi32, #tpu.memory_space<vmem>>
      %dma_wait3A_47 = arith.constant 0 : i32
      %dma_wait3A_48 = arith.constant 0 : i32
      %dma_wait3A_49 = tpu.memref_slice %arg11[%dma_wait3A_47, %dma_wait3A_48] : memref<10112x64xf32, #tpu.memory_space<vmem_shared>> -> memref<10112x64xf32, #tpu.memory_space<vmem_shared>>
      tpu.wait_indirect_dma semaphore(%arg14 : memref<!tpu.dma_semaphore, #tpu.memory_space<semaphore_mem>>) src(%dma_wait3A_49 : memref<10112x64xf32, #tpu.memory_space<vmem_shared>>) dst(%arg10 : memref<128x64xf32, #tpu.memory_space<vmem>>)
      %mul3A_50 = arith.constant 2 : i32
      %mul3A_51 = arith.muli %mul3A_50, %scan3A_19 : i32
      %add3A_52 = arith.constant 1 : i32
      %add3A_53 = arith.addi %mul3A_51, %add3A_52 : i32
      "tpu.region"() ({
        %run_scoped3A = tpu.sem_alloc : memref<!tpu.dma_semaphore, #tpu.memory_space<semaphore_mem>>
        %dma_start3A_54 = arith.constant 0 : i32
        %dma_start3A_55 = tpu.memref_slice %arg8[%add3A_53, %dma_start3A_54] : memref<80x128xi32, #tpu.memory_space<vmem>> -> memref<1x128xi32, #tpu.memory_space<vmem>>
        %dma_start3A_56 = tpu.memref_squeeze %dma_start3A_55 : memref<1x128xi32, #tpu.memory_space<vmem>> -> memref<128xi32, #tpu.memory_space<vmem>>
        %dma_start3A_57 = arith.constant 0 : i32
        %dma_start3A_58 = arith.constant 0 : i32
        %dma_start3A_59 = tpu.memref_slice %arg12[%dma_start3A_57, %dma_start3A_58] : memref<10112x64xf32, #tpu.memory_space<vmem_shared>> -> memref<10112x64xf32, #tpu.memory_space<vmem_shared>>
        tpu.enqueue_indirect_dma source(%arg10 : memref<128x64xf32, #tpu.memory_space<vmem>>) target(%dma_start3A_59 : memref<10112x64xf32, #tpu.memory_space<vmem_shared>>) offsets(%dma_start3A_56 : memref<128xi32, #tpu.memory_space<vmem>>) semaphore(%run_scoped3A : memref<!tpu.dma_semaphore, #tpu.memory_space<semaphore_mem>>) {add = true}
        %dma_wait3A_60 = arith.constant 0 : i32
        %dma_wait3A_61 = tpu.memref_slice %arg8[%add3A_53, %dma_wait3A_60] : memref<80x128xi32, #tpu.memory_space<vmem>> -> memref<1x128xi32, #tpu.memory_space<vmem>>
        %dma_wait3A_62 = tpu.memref_squeeze %dma_wait3A_61 : memref<1x128xi32, #tpu.memory_space<vmem>> -> memref<128xi32, #tpu.memory_space<vmem>>
        %dma_wait3A_63 = arith.constant 0 : i32
        %dma_wait3A_64 = arith.constant 0 : i32
        %dma_wait3A_65 = tpu.memref_slice %arg12[%dma_wait3A_63, %dma_wait3A_64] : memref<10112x64xf32, #tpu.memory_space<vmem_shared>> -> memref<10112x64xf32, #tpu.memory_space<vmem_shared>>
        tpu.wait_indirect_dma semaphore(%run_scoped3A : memref<!tpu.dma_semaphore, #tpu.memory_space<semaphore_mem>>) src(%arg10 : memref<128x64xf32, #tpu.memory_space<vmem>>) dst(%dma_wait3A_65 : memref<10112x64xf32, #tpu.memory_space<vmem_shared>>)
        tpu.yield
      }) : () -> ()
    }
    %scan3A_11 = arith.constant 40 : i32
    "tpu.region"() ({
      %run_scoped3A = tpu.sem_alloc : memref<!tpu.dma_semaphore, #tpu.memory_space<semaphore_mem>>
      %dma_start3A_19 = arith.constant 80 : i32
      %dma_start3A_20 = arith.constant 0 : i32
      %dma_start3A_21 = tpu.memref_slice %arg4[%arg1, %dma_start3A_19, %dma_start3A_20] : memref<16x160x128xi32, #tpu.memory_space<hbm>> -> memref<1x80x128xi32, #tpu.memory_space<hbm>>
      %dma_start3A_22 = tpu.memref_squeeze %dma_start3A_21 : memref<1x80x128xi32, #tpu.memory_space<hbm>> -> memref<80x128xi32, #tpu.memory_space<hbm>>
      %dma_start3A_23 = arith.constant 80 : i32
      %dma_start3A_24 = arith.constant 0 : i32
      %dma_start3A_25 = tpu.memref_slice %arg4[%arg1, %dma_start3A_23, %dma_start3A_24] : memref<16x160x128xi32, #tpu.memory_space<hbm>> -> memref<1x80x128xi32, #tpu.memory_space<hbm>>
      %dma_start3A_26 = tpu.memref_squeeze %dma_start3A_25 : memref<1x80x128xi32, #tpu.memory_space<hbm>> -> memref<80x128xi32, #tpu.memory_space<hbm>>
      tpu.enqueue_dma source(%dma_start3A_26 : memref<80x128xi32, #tpu.memory_space<hbm>>) target(%arg8 : memref<80x128xi32, #tpu.memory_space<vmem>>) target_semaphore(%run_scoped3A : memref<!tpu.dma_semaphore, #tpu.memory_space<semaphore_mem>>)
      %dma_wait3A = arith.constant 80 : i32
      %dma_wait3A_27 = arith.constant 0 : i32
      %dma_wait3A_28 = tpu.memref_slice %arg4[%arg1, %dma_wait3A, %dma_wait3A_27] : memref<16x160x128xi32, #tpu.memory_space<hbm>> -> memref<1x80x128xi32, #tpu.memory_space<hbm>>
      %dma_wait3A_29 = tpu.memref_squeeze %dma_wait3A_28 : memref<1x80x128xi32, #tpu.memory_space<hbm>> -> memref<80x128xi32, #tpu.memory_space<hbm>>
      %dma_wait3A_30 = arith.constant 80 : i32
      %dma_wait3A_31 = arith.constant 0 : i32
      %dma_wait3A_32 = tpu.memref_slice %arg4[%arg1, %dma_wait3A_30, %dma_wait3A_31] : memref<16x160x128xi32, #tpu.memory_space<hbm>> -> memref<1x80x128xi32, #tpu.memory_space<hbm>>
      %dma_wait3A_33 = tpu.memref_squeeze %dma_wait3A_32 : memref<1x80x128xi32, #tpu.memory_space<hbm>> -> memref<80x128xi32, #tpu.memory_space<hbm>>
      tpu.wait_dma2 semaphore(%run_scoped3A : memref<!tpu.dma_semaphore, #tpu.memory_space<semaphore_mem>>) src(%dma_wait3A_33 : memref<80x128xi32, #tpu.memory_space<hbm>>) dst(%arg8 : memref<80x128xi32, #tpu.memory_space<vmem>>)
      tpu.yield
    }) : () -> ()
    %scan3A_12 = arith.constant 0 : i32
    %scan3A_13 = arith.constant 0 : i32
    %scan3A_14 = arith.constant 40 : i32
    %scan3A_15 = arith.addi %scan3A_13, %scan3A_14 : i32
    %scan3A_16 = arith.constant 1 : i32
    scf.for %scan3A_19 = %scan3A_13 to %scan3A_15 step %scan3A_16  : i32 {
      %mul3A_20 = arith.constant 2 : i32
      %mul3A_21 = arith.muli %mul3A_20, %scan3A_19 : i32
      %add3A = arith.constant 80 : i32
      %add3A_22 = arith.addi %add3A, %mul3A_21 : i32
      %add3A_23 = arith.constant 1 : i32
      %add3A_24 = arith.addi %add3A_22, %add3A_23 : i32
      %dma_start3A_25 = arith.constant 0 : i32
      %dma_start3A_26 = tpu.memref_slice %arg7[%add3A_24, %dma_start3A_25] : memref<160x128xi32, #tpu.memory_space<vmem>> -> memref<1x128xi32, #tpu.memory_space<vmem>>
      %dma_start3A_27 = tpu.memref_squeeze %dma_start3A_26 : memref<1x128xi32, #tpu.memory_space<vmem>> -> memref<128xi32, #tpu.memory_space<vmem>>
      %dma_start3A_28 = arith.constant 0 : i32
      %dma_start3A_29 = arith.constant 0 : i32
      %dma_start3A_30 = tpu.memref_slice %arg11[%dma_start3A_28, %dma_start3A_29] : memref<10112x64xf32, #tpu.memory_space<vmem_shared>> -> memref<10112x64xf32, #tpu.memory_space<vmem_shared>>
      tpu.enqueue_indirect_dma source(%dma_start3A_30 : memref<10112x64xf32, #tpu.memory_space<vmem_shared>>) target(%arg10 : memref<128x64xf32, #tpu.memory_space<vmem>>) offsets(%dma_start3A_27 : memref<128xi32, #tpu.memory_space<vmem>>) semaphore(%arg14 : memref<!tpu.dma_semaphore, #tpu.memory_space<semaphore_mem>>)
      %dma_wait3A = arith.constant 0 : i32
      %dma_wait3A_31 = tpu.memref_slice %arg7[%add3A_22, %dma_wait3A] : memref<160x128xi32, #tpu.memory_space<vmem>> -> memref<1x128xi32, #tpu.memory_space<vmem>>
      %dma_wait3A_32 = tpu.memref_squeeze %dma_wait3A_31 : memref<1x128xi32, #tpu.memory_space<vmem>> -> memref<128xi32, #tpu.memory_space<vmem>>
      %dma_wait3A_33 = arith.constant 0 : i32
      %dma_wait3A_34 = arith.constant 0 : i32
      %dma_wait3A_35 = tpu.memref_slice %arg11[%dma_wait3A_33, %dma_wait3A_34] : memref<10112x64xf32, #tpu.memory_space<vmem_shared>> -> memref<10112x64xf32, #tpu.memory_space<vmem_shared>>
      tpu.wait_indirect_dma semaphore(%arg13 : memref<!tpu.dma_semaphore, #tpu.memory_space<semaphore_mem>>) src(%dma_wait3A_35 : memref<10112x64xf32, #tpu.memory_space<vmem_shared>>) dst(%arg9 : memref<128x64xf32, #tpu.memory_space<vmem>>)
      %mul3A_36 = arith.constant 2 : i32
      %mul3A_37 = arith.muli %mul3A_36, %scan3A_19 : i32
      "tpu.region"() ({
        %run_scoped3A = tpu.sem_alloc : memref<!tpu.dma_semaphore, #tpu.memory_space<semaphore_mem>>
        %dma_start3A_54 = arith.constant 0 : i32
        %dma_start3A_55 = tpu.memref_slice %arg8[%mul3A_37, %dma_start3A_54] : memref<80x128xi32, #tpu.memory_space<vmem>> -> memref<1x128xi32, #tpu.memory_space<vmem>>
        %dma_start3A_56 = tpu.memref_squeeze %dma_start3A_55 : memref<1x128xi32, #tpu.memory_space<vmem>> -> memref<128xi32, #tpu.memory_space<vmem>>
        %dma_start3A_57 = arith.constant 0 : i32
        %dma_start3A_58 = arith.constant 0 : i32
        %dma_start3A_59 = tpu.memref_slice %arg12[%dma_start3A_57, %dma_start3A_58] : memref<10112x64xf32, #tpu.memory_space<vmem_shared>> -> memref<10112x64xf32, #tpu.memory_space<vmem_shared>>
        tpu.enqueue_indirect_dma source(%arg9 : memref<128x64xf32, #tpu.memory_space<vmem>>) target(%dma_start3A_59 : memref<10112x64xf32, #tpu.memory_space<vmem_shared>>) offsets(%dma_start3A_56 : memref<128xi32, #tpu.memory_space<vmem>>) semaphore(%run_scoped3A : memref<!tpu.dma_semaphore, #tpu.memory_space<semaphore_mem>>) {add = true}
        %dma_wait3A_60 = arith.constant 0 : i32
        %dma_wait3A_61 = tpu.memref_slice %arg8[%mul3A_37, %dma_wait3A_60] : memref<80x128xi32, #tpu.memory_space<vmem>> -> memref<1x128xi32, #tpu.memory_space<vmem>>
        %dma_wait3A_62 = tpu.memref_squeeze %dma_wait3A_61 : memref<1x128xi32, #tpu.memory_space<vmem>> -> memref<128xi32, #tpu.memory_space<vmem>>
        %dma_wait3A_63 = arith.constant 0 : i32
        %dma_wait3A_64 = arith.constant 0 : i32
        %dma_wait3A_65 = tpu.memref_slice %arg12[%dma_wait3A_63, %dma_wait3A_64] : memref<10112x64xf32, #tpu.memory_space<vmem_shared>> -> memref<10112x64xf32, #tpu.memory_space<vmem_shared>>
        tpu.wait_indirect_dma semaphore(%run_scoped3A : memref<!tpu.dma_semaphore, #tpu.memory_space<semaphore_mem>>) src(%arg9 : memref<128x64xf32, #tpu.memory_space<vmem>>) dst(%dma_wait3A_65 : memref<10112x64xf32, #tpu.memory_space<vmem_shared>>)
        tpu.yield
      }) : () -> ()
      %add3A_38 = arith.constant 2 : i32
      %add3A_39 = arith.addi %add3A_22, %add3A_38 : i32
      %lt3A = arith.constant 160 : i32
      %lt3A_40 = arith.cmpi slt, %add3A_39, %lt3A : i32
      %convert_element_type3A = arith.extui %lt3A_40 : i1 to i32
      %cond3A = arith.constant 0 : i32
      %cond3A_41 = arith.cmpi ne, %convert_element_type3A, %cond3A : i32
      scf.if %cond3A_41 {
        %add3A_54 = arith.constant 2 : i32
        %add3A_55 = arith.addi %add3A_22, %add3A_54 : i32
        %dma_start3A_56 = arith.constant 0 : i32
        %dma_start3A_57 = tpu.memref_slice %arg7[%add3A_55, %dma_start3A_56] : memref<160x128xi32, #tpu.memory_space<vmem>> -> memref<1x128xi32, #tpu.memory_space<vmem>>
        %dma_start3A_58 = tpu.memref_squeeze %dma_start3A_57 : memref<1x128xi32, #tpu.memory_space<vmem>> -> memref<128xi32, #tpu.memory_space<vmem>>
        %dma_start3A_59 = arith.constant 0 : i32
        %dma_start3A_60 = arith.constant 0 : i32
        %dma_start3A_61 = tpu.memref_slice %arg11[%dma_start3A_59, %dma_start3A_60] : memref<10112x64xf32, #tpu.memory_space<vmem_shared>> -> memref<10112x64xf32, #tpu.memory_space<vmem_shared>>
        tpu.enqueue_indirect_dma source(%dma_start3A_61 : memref<10112x64xf32, #tpu.memory_space<vmem_shared>>) target(%arg9 : memref<128x64xf32, #tpu.memory_space<vmem>>) offsets(%dma_start3A_58 : memref<128xi32, #tpu.memory_space<vmem>>) semaphore(%arg13 : memref<!tpu.dma_semaphore, #tpu.memory_space<semaphore_mem>>)
      } else {
      }
      %add3A_42 = arith.constant 1 : i32
      %add3A_43 = arith.addi %add3A_22, %add3A_42 : i32
      %dma_wait3A_44 = arith.constant 0 : i32
      %dma_wait3A_45 = tpu.memref_slice %arg7[%add3A_43, %dma_wait3A_44] : memref<160x128xi32, #tpu.memory_space<vmem>> -> memref<1x128xi32, #tpu.memory_space<vmem>>
      %dma_wait3A_46 = tpu.memref_squeeze %dma_wait3A_45 : memref<1x128xi32, #tpu.memory_space<vmem>> -> memref<128xi32, #tpu.memory_space<vmem>>
      %dma_wait3A_47 = arith.constant 0 : i32
      %dma_wait3A_48 = arith.constant 0 : i32
      %dma_wait3A_49 = tpu.memref_slice %arg11[%dma_wait3A_47, %dma_wait3A_48] : memref<10112x64xf32, #tpu.memory_space<vmem_shared>> -> memref<10112x64xf32, #tpu.memory_space<vmem_shared>>
      tpu.wait_indirect_dma semaphore(%arg14 : memref<!tpu.dma_semaphore, #tpu.memory_space<semaphore_mem>>) src(%dma_wait3A_49 : memref<10112x64xf32, #tpu.memory_space<vmem_shared>>) dst(%arg10 : memref<128x64xf32, #tpu.memory_space<vmem>>)
      %mul3A_50 = arith.constant 2 : i32
      %mul3A_51 = arith.muli %mul3A_50, %scan3A_19 : i32
      %add3A_52 = arith.constant 1 : i32
      %add3A_53 = arith.addi %mul3A_51, %add3A_52 : i32
      "tpu.region"() ({
        %run_scoped3A = tpu.sem_alloc : memref<!tpu.dma_semaphore, #tpu.memory_space<semaphore_mem>>
        %dma_start3A_54 = arith.constant 0 : i32
        %dma_start3A_55 = tpu.memref_slice %arg8[%add3A_53, %dma_start3A_54] : memref<80x128xi32, #tpu.memory_space<vmem>> -> memref<1x128xi32, #tpu.memory_space<vmem>>
        %dma_start3A_56 = tpu.memref_squeeze %dma_start3A_55 : memref<1x128xi32, #tpu.memory_space<vmem>> -> memref<128xi32, #tpu.memory_space<vmem>>
        %dma_start3A_57 = arith.constant 0 : i32
        %dma_start3A_58 = arith.constant 0 : i32
        %dma_start3A_59 = tpu.memref_slice %arg12[%dma_start3A_57, %dma_start3A_58] : memref<10112x64xf32, #tpu.memory_space<vmem_shared>> -> memref<10112x64xf32, #tpu.memory_space<vmem_shared>>
        tpu.enqueue_indirect_dma source(%arg10 : memref<128x64xf32, #tpu.memory_space<vmem>>) target(%dma_start3A_59 : memref<10112x64xf32, #tpu.memory_space<vmem_shared>>) offsets(%dma_start3A_56 : memref<128xi32, #tpu.memory_space<vmem>>) semaphore(%run_scoped3A : memref<!tpu.dma_semaphore, #tpu.memory_space<semaphore_mem>>) {add = true}
        %dma_wait3A_60 = arith.constant 0 : i32
        %dma_wait3A_61 = tpu.memref_slice %arg8[%add3A_53, %dma_wait3A_60] : memref<80x128xi32, #tpu.memory_space<vmem>> -> memref<1x128xi32, #tpu.memory_space<vmem>>
        %dma_wait3A_62 = tpu.memref_squeeze %dma_wait3A_61 : memref<1x128xi32, #tpu.memory_space<vmem>> -> memref<128xi32, #tpu.memory_space<vmem>>
        %dma_wait3A_63 = arith.constant 0 : i32
        %dma_wait3A_64 = arith.constant 0 : i32
        %dma_wait3A_65 = tpu.memref_slice %arg12[%dma_wait3A_63, %dma_wait3A_64] : memref<10112x64xf32, #tpu.memory_space<vmem_shared>> -> memref<10112x64xf32, #tpu.memory_space<vmem_shared>>
        tpu.wait_indirect_dma semaphore(%run_scoped3A : memref<!tpu.dma_semaphore, #tpu.memory_space<semaphore_mem>>) src(%arg10 : memref<128x64xf32, #tpu.memory_space<vmem>>) dst(%dma_wait3A_65 : memref<10112x64xf32, #tpu.memory_space<vmem_shared>>)
        tpu.yield
      }) : () -> ()
    }
    %scan3A_17 = arith.constant 40 : i32
    %barrier3A_18 = arith.constant 0 : index
    tpu.barrier barrier_id(%barrier3A_18)
    "tpu.region"() ({
      %run_scoped3A = tpu.sem_alloc : memref<!tpu.dma_semaphore, #tpu.memory_space<semaphore_mem>>
      %dma_start3A_19 = arith.constant 0 : i32
      %dma_start3A_20 = tpu.memref_slice %arg6[%arg0, %mul3A_0, %dma_start3A_19] : memref<2x10112x64xf32, #tpu.memory_space<hbm>> -> memref<1x632x64xf32, #tpu.memory_space<hbm>>
      %dma_start3A_21 = tpu.memref_squeeze %dma_start3A_20 : memref<1x632x64xf32, #tpu.memory_space<hbm>> -> memref<632x64xf32, #tpu.memory_space<hbm>>
      %dma_start3A_22 = arith.constant 0 : i32
      %dma_start3A_23 = tpu.memref_slice %arg12[%mul3A_0, %dma_start3A_22] : memref<10112x64xf32, #tpu.memory_space<vmem_shared>> -> memref<632x64xf32, #tpu.memory_space<vmem_shared>>
      tpu.enqueue_dma source(%dma_start3A_23 : memref<632x64xf32, #tpu.memory_space<vmem_shared>>) target(%dma_start3A_21 : memref<632x64xf32, #tpu.memory_space<hbm>>) target_semaphore(%run_scoped3A : memref<!tpu.dma_semaphore, #tpu.memory_space<semaphore_mem>>)
      %dma_wait3A = arith.constant 0 : i32
      %dma_wait3A_24 = tpu.memref_slice %arg6[%arg0, %mul3A_0, %dma_wait3A] : memref<2x10112x64xf32, #tpu.memory_space<hbm>> -> memref<1x632x64xf32, #tpu.memory_space<hbm>>
      %dma_wait3A_25 = tpu.memref_squeeze %dma_wait3A_24 : memref<1x632x64xf32, #tpu.memory_space<hbm>> -> memref<632x64xf32, #tpu.memory_space<hbm>>
      %dma_wait3A_26 = arith.constant 0 : i32
      %dma_wait3A_27 = tpu.memref_slice %arg12[%mul3A_0, %dma_wait3A_26] : memref<10112x64xf32, #tpu.memory_space<vmem_shared>> -> memref<632x64xf32, #tpu.memory_space<vmem_shared>>
      tpu.wait_dma2 semaphore(%run_scoped3A : memref<!tpu.dma_semaphore, #tpu.memory_space<semaphore_mem>>) src(%dma_wait3A_27 : memref<632x64xf32, #tpu.memory_space<vmem_shared>>) dst(%dma_wait3A_25 : memref<632x64xf32, #tpu.memory_space<hbm>>)
      tpu.yield
    }) : () -> ()
    return
  }
}

module attributes {stable_mosaic.version = 14 : i64} {
  func.func @body(%arg0: i32, %arg1: memref<1000x128xf32, #tpu.memory_space<vmem>>, %arg2: memref<128x128xf32, #tpu.memory_space<vmem>>, %arg3: memref<2x1000x1xf32, #tpu.memory_space<vmem>>, %arg4: memref<2x1000x64xf32, #tpu.memory_space<vmem>>, %arg5: memref<1000x1xf32, #tpu.memory_space<vmem>>) attributes {dimension_semantics = [#tpu.dimension_semantics<arbitrary>], iteration_bounds = array<i64: 10>, scalar_prefetch = 0 : i64, scratch_operands = 0 : i64, tpu.core_type = #tpu.core_type<tc>, window_params = [{transform_indices = @transform_0, window_bounds = array<i64: 1000, 128>}, {pipeline_mode = #tpu.pipeline_mode<synchronous>, transform_indices = @transform_1, window_bounds = array<i64: 128, 128>}, {transform_indices = @transform_2, window_bounds = array<i64: 2, 1000, 1>}, {transform_indices = @transform_3, window_bounds = array<i64: 2, 1000, 64>}, {transform_indices = @transform_4, window_bounds = array<i64: 1000, 1>}]} {
    %get3A = arith.constant 0 : index
    %get3A_0 = arith.constant 0 : index
    %get3A_1 = arith.constant 0 : index
    %get3A_2 = vector.load %arg3[%get3A, %get3A_0, %get3A_1] : memref<2x1000x1xf32, #tpu.memory_space<vmem>>, vector<1x1000x1xf32>
    %get3A_3 = vector.shape_cast %get3A_2 : vector<1x1000x1xf32> to vector<1000x1xf32>
    %get3A_4 = arith.constant 1 : index
    %get3A_5 = arith.constant 0 : index
    %get3A_6 = arith.constant 0 : index
    %get3A_7 = vector.load %arg3[%get3A_4, %get3A_5, %get3A_6] : memref<2x1000x1xf32, #tpu.memory_space<vmem>>, vector<1x1000x1xf32>
    %get3A_8 = vector.shape_cast %get3A_7 : vector<1x1000x1xf32> to vector<1000x1xf32>
    %add3A = arith.addf %get3A_3, %get3A_8 : vector<1000x1xf32>
    %add3A_9 = arith.constant 1.000000e+00 : f32
    %add3A_10 = vector.broadcast %add3A_9 : f32 to vector<1000x1xf32>
    %add3A_11 = arith.addf %add3A, %add3A_10 : vector<1000x1xf32>
    %sqrt3A = math.sqrt %add3A_11 : vector<1000x1xf32>
    %div3A = arith.constant 1.000000e+00 : f32
    %div3A_12 = vector.broadcast %div3A : f32 to vector<1000x1xf32>
    %div3A_13 = arith.divf %div3A_12, %sqrt3A : vector<1000x1xf32>
    %swap3A = arith.constant 0 : index
    %swap3A_14 = arith.constant 0 : index
    %swap3A_15 = vector.load %arg5[%swap3A, %swap3A_14] : memref<1000x1xf32, #tpu.memory_space<vmem>>, vector<1000x1xf32>
    tpu.vector_store %arg5[%swap3A, %swap3A_14], %div3A_13 {strides = array<i32>} : memref<1000x1xf32, #tpu.memory_space<vmem>>, vector<1000x1xf32>,
    %get3A_16 = arith.constant 0 : index
    %get3A_17 = arith.constant 0 : index
    %get3A_18 = vector.load %arg1[%get3A_16, %get3A_17] : memref<1000x128xf32, #tpu.memory_space<vmem>>, vector<1000x128xf32>
    %get3A_19 = arith.constant 0 : index
    %get3A_20 = arith.constant 0 : index
    %get3A_21 = vector.load %arg2[%get3A_19, %get3A_20] : memref<128x128xf32, #tpu.memory_space<vmem>>, vector<128x128xf32>
    %dot_general3A = arith.constant dense<0.000000e+00> : vector<1000x128xf32>
    %dot_general3A_22 = tpu.matmul %get3A_18, %get3A_21, %dot_general3A {dimension_numbers = #tpu.dot_dimension_numbers<[1], [0], [0], [1], [0, 0, 1, 1], [], []>, transpose_lhs_hint = false} : vector<1000x128xf32>, vector<128x128xf32>, vector<1000x128xf32> -> vector<1000x128xf32>
    %mul3A = vector.broadcast %div3A_13 : vector<1000x1xf32> to vector<1000x128xf32>
    %mul3A_23 = arith.mulf %dot_general3A_22, %mul3A : vector<1000x128xf32>
    %slice3A = vector.extract_strided_slice %mul3A_23 {offsets = [0, 0], sizes = [1000, 64], strides = [1, 1]} : vector<1000x128xf32> to vector<1000x64xf32>
    %swap3A_24 = arith.constant 0 : index
    %swap3A_25 = arith.constant 0 : index
    %swap3A_26 = arith.constant 0 : index
    %swap3A_27 = vector.load %arg4[%swap3A_24, %swap3A_25, %swap3A_26] : memref<2x1000x64xf32, #tpu.memory_space<vmem>>, vector<1x1000x64xf32>
    %swap3A_28 = vector.shape_cast %swap3A_27 : vector<1x1000x64xf32> to vector<1000x64xf32>
    %swap3A_29 = vector.shape_cast %slice3A : vector<1000x64xf32> to vector<1x1000x64xf32>
    tpu.vector_store %arg4[%swap3A_24, %swap3A_25, %swap3A_26], %swap3A_29 {strides = array<i32>} : memref<2x1000x64xf32, #tpu.memory_space<vmem>>, vector<1x1000x64xf32>,
    %slice3A_30 = vector.extract_strided_slice %mul3A_23 {offsets = [0, 64], sizes = [1000, 64], strides = [1, 1]} : vector<1000x128xf32> to vector<1000x64xf32>
    %swap3A_31 = arith.constant 1 : index
    %swap3A_32 = arith.constant 0 : index
    %swap3A_33 = arith.constant 0 : index
    %swap3A_34 = vector.load %arg4[%swap3A_31, %swap3A_32, %swap3A_33] : memref<2x1000x64xf32, #tpu.memory_space<vmem>>, vector<1x1000x64xf32>
    %swap3A_35 = vector.shape_cast %swap3A_34 : vector<1x1000x64xf32> to vector<1000x64xf32>
    %swap3A_36 = vector.shape_cast %slice3A_30 : vector<1000x64xf32> to vector<1x1000x64xf32>
    tpu.vector_store %arg4[%swap3A_31, %swap3A_32, %swap3A_33], %swap3A_36 {strides = array<i32>} : memref<2x1000x64xf32, #tpu.memory_space<vmem>>, vector<1x1000x64xf32>,
    return
  }
  func.func @transform_0(%arg0: i32) -> (i32, i32) {
    %c0_i32 = arith.constant 0 : i32
    %c0_i32_0 = arith.constant 0 : i32
    return %arg0, %c0_i32 : i32, i32
  }
  func.func @transform_1(%arg0: i32) -> (i32, i32) {
    %c0_i32 = arith.constant 0 : i32
    %c0_i32_0 = arith.constant 0 : i32
    %c0_i32_1 = arith.constant 0 : i32
    return %c0_i32, %c0_i32_0 : i32, i32
  }
  func.func @transform_2(%arg0: i32) -> (i32, i32, i32) {
    %c0_i32 = arith.constant 0 : i32
    %c0_i32_0 = arith.constant 0 : i32
    %c0_i32_1 = arith.constant 0 : i32
    return %c0_i32, %arg0, %c0_i32_0 : i32, i32, i32
  }
  func.func @transform_3(%arg0: i32) -> (i32, i32, i32) {
    %c0_i32 = arith.constant 0 : i32
    %c0_i32_0 = arith.constant 0 : i32
    %c0_i32_1 = arith.constant 0 : i32
    return %c0_i32, %arg0, %c0_i32_0 : i32, i32, i32
  }
  func.func @transform_4(%arg0: i32) -> (i32, i32) {
    %c0_i32 = arith.constant 0 : i32
    %c0_i32_0 = arith.constant 0 : i32
    return %arg0, %c0_i32 : i32, i32
  }
}

module attributes {stable_mosaic.version = 14 : i64} {
  func.func @body(%arg0: i32, %arg1: memref<2x1000x64xf32, #tpu.memory_space<vmem>>, %arg2: memref<2x1000x64xf32, #tpu.memory_space<vmem>>, %arg3: memref<1000x1xf32, #tpu.memory_space<vmem>>, %arg4: memref<1x128xf32, #tpu.memory_space<vmem>>, %arg5: memref<128x128xf32, #tpu.memory_space<vmem>>, %arg6: memref<2x1000x64xf32, #tpu.memory_space<vmem>>) attributes {dimension_semantics = [#tpu.dimension_semantics<arbitrary>], iteration_bounds = array<i64: 10>, scalar_prefetch = 0 : i64, scratch_operands = 0 : i64, tpu.core_type = #tpu.core_type<tc>, window_params = [{transform_indices = @transform_0, window_bounds = array<i64: 2, 1000, 64>}, {transform_indices = @transform_1, window_bounds = array<i64: 2, 1000, 64>}, {transform_indices = @transform_2, window_bounds = array<i64: 1000, 1>}, {pipeline_mode = #tpu.pipeline_mode<synchronous>, transform_indices = @transform_3, window_bounds = array<i64: 1, 128>}, {pipeline_mode = #tpu.pipeline_mode<synchronous>, transform_indices = @transform_4, window_bounds = array<i64: 128, 128>}, {transform_indices = @transform_5, window_bounds = array<i64: 2, 1000, 64>}]} {
    %get3A = arith.constant 0 : index
    %get3A_0 = arith.constant 0 : index
    %get3A_1 = arith.constant 0 : index
    %get3A_2 = vector.load %arg1[%get3A, %get3A_0, %get3A_1] : memref<2x1000x64xf32, #tpu.memory_space<vmem>>, vector<1x1000x64xf32>
    %get3A_3 = vector.shape_cast %get3A_2 : vector<1x1000x64xf32> to vector<1000x64xf32>
    %get3A_4 = arith.constant 0 : index
    %get3A_5 = arith.constant 0 : index
    %get3A_6 = arith.constant 0 : index
    %get3A_7 = vector.load %arg2[%get3A_4, %get3A_5, %get3A_6] : memref<2x1000x64xf32, #tpu.memory_space<vmem>>, vector<1x1000x64xf32>
    %get3A_8 = vector.shape_cast %get3A_7 : vector<1x1000x64xf32> to vector<1000x64xf32>
    %add3A = arith.addf %get3A_3, %get3A_8 : vector<1000x64xf32>
    %get3A_9 = arith.constant 1 : index
    %get3A_10 = arith.constant 0 : index
    %get3A_11 = arith.constant 0 : index
    %get3A_12 = vector.load %arg1[%get3A_9, %get3A_10, %get3A_11] : memref<2x1000x64xf32, #tpu.memory_space<vmem>>, vector<1x1000x64xf32>
    %get3A_13 = vector.shape_cast %get3A_12 : vector<1x1000x64xf32> to vector<1000x64xf32>
    %get3A_14 = arith.constant 1 : index
    %get3A_15 = arith.constant 0 : index
    %get3A_16 = arith.constant 0 : index
    %get3A_17 = vector.load %arg2[%get3A_14, %get3A_15, %get3A_16] : memref<2x1000x64xf32, #tpu.memory_space<vmem>>, vector<1x1000x64xf32>
    %get3A_18 = vector.shape_cast %get3A_17 : vector<1x1000x64xf32> to vector<1000x64xf32>
    %add3A_19 = arith.addf %get3A_13, %get3A_18 : vector<1000x64xf32>
    %concatenate3A = tpu.concatenate %add3A, %add3A_19 in 1 : vector<1000x64xf32>, vector<1000x64xf32> -> vector<1000x128xf32>
    %get3A_20 = arith.constant 0 : index
    %get3A_21 = arith.constant 0 : index
    %get3A_22 = vector.load %arg3[%get3A_20, %get3A_21] : memref<1000x1xf32, #tpu.memory_space<vmem>>, vector<1000x1xf32>
    %mul3A = vector.broadcast %get3A_22 : vector<1000x1xf32> to vector<1000x128xf32>
    %mul3A_23 = arith.mulf %concatenate3A, %mul3A : vector<1000x128xf32>
    %get3A_24 = arith.constant 0 : index
    %get3A_25 = arith.constant 0 : index
    %get3A_26 = vector.load %arg4[%get3A_24, %get3A_25] : memref<1x128xf32, #tpu.memory_space<vmem>>, vector<1x128xf32>
    %add3A_27 = vector.broadcast %get3A_26 : vector<1x128xf32> to vector<1000x128xf32>
    %add3A_28 = arith.addf %mul3A_23, %add3A_27 : vector<1000x128xf32>
    %max3A = arith.constant 0.000000e+00 : f32
    %max3A_29 = vector.broadcast %max3A : f32 to vector<1000x128xf32>
    %max3A_30 = arith.maximumf %add3A_28, %max3A_29 : vector<1000x128xf32>
    %get3A_31 = arith.constant 0 : index
    %get3A_32 = arith.constant 0 : index
    %get3A_33 = vector.load %arg5[%get3A_31, %get3A_32] : memref<128x128xf32, #tpu.memory_space<vmem>>, vector<128x128xf32>
    %dot_general3A = arith.constant dense<0.000000e+00> : vector<1000x128xf32>
    %dot_general3A_34 = tpu.matmul %max3A_30, %get3A_33, %dot_general3A {dimension_numbers = #tpu.dot_dimension_numbers<[1], [0], [0], [1], [0, 0, 1, 1], [], []>, transpose_lhs_hint = false} : vector<1000x128xf32>, vector<128x128xf32>, vector<1000x128xf32> -> vector<1000x128xf32>
    %get3A_35 = arith.constant 0 : index
    %get3A_36 = arith.constant 0 : index
    %get3A_37 = vector.load %arg3[%get3A_35, %get3A_36] : memref<1000x1xf32, #tpu.memory_space<vmem>>, vector<1000x1xf32>
    %mul3A_38 = vector.broadcast %get3A_37 : vector<1000x1xf32> to vector<1000x128xf32>
    %mul3A_39 = arith.mulf %dot_general3A_34, %mul3A_38 : vector<1000x128xf32>
    %slice3A = vector.extract_strided_slice %mul3A_39 {offsets = [0, 0], sizes = [1000, 64], strides = [1, 1]} : vector<1000x128xf32> to vector<1000x64xf32>
    %swap3A = arith.constant 0 : index
    %swap3A_40 = arith.constant 0 : index
    %swap3A_41 = arith.constant 0 : index
    %swap3A_42 = vector.load %arg6[%swap3A, %swap3A_40, %swap3A_41] : memref<2x1000x64xf32, #tpu.memory_space<vmem>>, vector<1x1000x64xf32>
    %swap3A_43 = vector.shape_cast %swap3A_42 : vector<1x1000x64xf32> to vector<1000x64xf32>
    %swap3A_44 = vector.shape_cast %slice3A : vector<1000x64xf32> to vector<1x1000x64xf32>
    tpu.vector_store %arg6[%swap3A, %swap3A_40, %swap3A_41], %swap3A_44 {strides = array<i32>} : memref<2x1000x64xf32, #tpu.memory_space<vmem>>, vector<1x1000x64xf32>,
    %slice3A_45 = vector.extract_strided_slice %mul3A_39 {offsets = [0, 64], sizes = [1000, 64], strides = [1, 1]} : vector<1000x128xf32> to vector<1000x64xf32>
    %swap3A_46 = arith.constant 1 : index
    %swap3A_47 = arith.constant 0 : index
    %swap3A_48 = arith.constant 0 : index
    %swap3A_49 = vector.load %arg6[%swap3A_46, %swap3A_47, %swap3A_48] : memref<2x1000x64xf32, #tpu.memory_space<vmem>>, vector<1x1000x64xf32>
    %swap3A_50 = vector.shape_cast %swap3A_49 : vector<1x1000x64xf32> to vector<1000x64xf32>
    %swap3A_51 = vector.shape_cast %slice3A_45 : vector<1000x64xf32> to vector<1x1000x64xf32>
    tpu.vector_store %arg6[%swap3A_46, %swap3A_47, %swap3A_48], %swap3A_51 {strides = array<i32>} : memref<2x1000x64xf32, #tpu.memory_space<vmem>>, vector<1x1000x64xf32>,
    return
  }
  func.func @transform_0(%arg0: i32) -> (i32, i32, i32) {
    %c0_i32 = arith.constant 0 : i32
    %c0_i32_0 = arith.constant 0 : i32
    %c0_i32_1 = arith.constant 0 : i32
    return %c0_i32, %arg0, %c0_i32_0 : i32, i32, i32
  }
  func.func @transform_1(%arg0: i32) -> (i32, i32, i32) {
    %c0_i32 = arith.constant 0 : i32
    %c0_i32_0 = arith.constant 0 : i32
    %c0_i32_1 = arith.constant 0 : i32
    return %c0_i32, %arg0, %c0_i32_0 : i32, i32, i32
  }
  func.func @transform_2(%arg0: i32) -> (i32, i32) {
    %c0_i32 = arith.constant 0 : i32
    %c0_i32_0 = arith.constant 0 : i32
    return %arg0, %c0_i32 : i32, i32
  }
  func.func @transform_3(%arg0: i32) -> (i32, i32) {
    %c0_i32 = arith.constant 0 : i32
    %c0_i32_0 = arith.constant 0 : i32
    %c0_i32_1 = arith.constant 0 : i32
    return %c0_i32, %c0_i32_0 : i32, i32
  }
  func.func @transform_4(%arg0: i32) -> (i32, i32) {
    %c0_i32 = arith.constant 0 : i32
    %c0_i32_0 = arith.constant 0 : i32
    %c0_i32_1 = arith.constant 0 : i32
    return %c0_i32, %c0_i32_0 : i32, i32
  }
  func.func @transform_5(%arg0: i32) -> (i32, i32, i32) {
    %c0_i32 = arith.constant 0 : i32
    %c0_i32_0 = arith.constant 0 : i32
    %c0_i32_1 = arith.constant 0 : i32
    return %c0_i32, %arg0, %c0_i32_0 : i32, i32, i32
  }
}

module attributes {stable_mosaic.version = 14 : i64} {
  func.func @body(%arg0: i32, %arg1: memref<2x1000x64xf32, #tpu.memory_space<vmem>>, %arg2: memref<2x1000x64xf32, #tpu.memory_space<vmem>>, %arg3: memref<1000x1xf32, #tpu.memory_space<vmem>>, %arg4: memref<1x128xf32, #tpu.memory_space<vmem>>, %arg5: memref<128x128xf32, #tpu.memory_space<vmem>>, %arg6: memref<1000x128xf32, #tpu.memory_space<vmem>>, %arg7: memref<128x128xf32, #tpu.memory_space<vmem>>, %arg8: memref<1x128xf32, #tpu.memory_space<vmem>>, %arg9: memref<1x128xf32, #tpu.memory_space<vmem>>, %arg10: memref<1000x128xf32, #tpu.memory_space<vmem>>) attributes {dimension_semantics = [#tpu.dimension_semantics<arbitrary>], iteration_bounds = array<i64: 10>, scalar_prefetch = 0 : i64, scratch_operands = 0 : i64, tpu.core_type = #tpu.core_type<tc>, window_params = [{transform_indices = @transform_0, window_bounds = array<i64: 2, 1000, 64>}, {transform_indices = @transform_1, window_bounds = array<i64: 2, 1000, 64>}, {transform_indices = @transform_2, window_bounds = array<i64: 1000, 1>}, {pipeline_mode = #tpu.pipeline_mode<synchronous>, transform_indices = @transform_3, window_bounds = array<i64: 1, 128>}, {pipeline_mode = #tpu.pipeline_mode<synchronous>, transform_indices = @transform_4, window_bounds = array<i64: 128, 128>}, {transform_indices = @transform_5, window_bounds = array<i64: 1000, 128>}, {pipeline_mode = #tpu.pipeline_mode<synchronous>, transform_indices = @transform_6, window_bounds = array<i64: 128, 128>}, {pipeline_mode = #tpu.pipeline_mode<synchronous>, transform_indices = @transform_7, window_bounds = array<i64: 1, 128>}, {pipeline_mode = #tpu.pipeline_mode<synchronous>, transform_indices = @transform_8, window_bounds = array<i64: 1, 128>}, {transform_indices = @transform_9, window_bounds = array<i64: 1000, 128>}]} {
    %get3A = arith.constant 0 : index
    %get3A_0 = arith.constant 0 : index
    %get3A_1 = arith.constant 0 : index
    %get3A_2 = vector.load %arg1[%get3A, %get3A_0, %get3A_1] : memref<2x1000x64xf32, #tpu.memory_space<vmem>>, vector<1x1000x64xf32>
    %get3A_3 = vector.shape_cast %get3A_2 : vector<1x1000x64xf32> to vector<1000x64xf32>
    %get3A_4 = arith.constant 0 : index
    %get3A_5 = arith.constant 0 : index
    %get3A_6 = arith.constant 0 : index
    %get3A_7 = vector.load %arg2[%get3A_4, %get3A_5, %get3A_6] : memref<2x1000x64xf32, #tpu.memory_space<vmem>>, vector<1x1000x64xf32>
    %get3A_8 = vector.shape_cast %get3A_7 : vector<1x1000x64xf32> to vector<1000x64xf32>
    %add3A = arith.addf %get3A_3, %get3A_8 : vector<1000x64xf32>
    %get3A_9 = arith.constant 1 : index
    %get3A_10 = arith.constant 0 : index
    %get3A_11 = arith.constant 0 : index
    %get3A_12 = vector.load %arg1[%get3A_9, %get3A_10, %get3A_11] : memref<2x1000x64xf32, #tpu.memory_space<vmem>>, vector<1x1000x64xf32>
    %get3A_13 = vector.shape_cast %get3A_12 : vector<1x1000x64xf32> to vector<1000x64xf32>
    %get3A_14 = arith.constant 1 : index
    %get3A_15 = arith.constant 0 : index
    %get3A_16 = arith.constant 0 : index
    %get3A_17 = vector.load %arg2[%get3A_14, %get3A_15, %get3A_16] : memref<2x1000x64xf32, #tpu.memory_space<vmem>>, vector<1x1000x64xf32>
    %get3A_18 = vector.shape_cast %get3A_17 : vector<1x1000x64xf32> to vector<1000x64xf32>
    %add3A_19 = arith.addf %get3A_13, %get3A_18 : vector<1000x64xf32>
    %concatenate3A = tpu.concatenate %add3A, %add3A_19 in 1 : vector<1000x64xf32>, vector<1000x64xf32> -> vector<1000x128xf32>
    %get3A_20 = arith.constant 0 : index
    %get3A_21 = arith.constant 0 : index
    %get3A_22 = vector.load %arg3[%get3A_20, %get3A_21] : memref<1000x1xf32, #tpu.memory_space<vmem>>, vector<1000x1xf32>
    %mul3A = vector.broadcast %get3A_22 : vector<1000x1xf32> to vector<1000x128xf32>
    %mul3A_23 = arith.mulf %concatenate3A, %mul3A : vector<1000x128xf32>
    %get3A_24 = arith.constant 0 : index
    %get3A_25 = arith.constant 0 : index
    %get3A_26 = vector.load %arg4[%get3A_24, %get3A_25] : memref<1x128xf32, #tpu.memory_space<vmem>>, vector<1x128xf32>
    %add3A_27 = vector.broadcast %get3A_26 : vector<1x128xf32> to vector<1000x128xf32>
    %add3A_28 = arith.addf %mul3A_23, %add3A_27 : vector<1000x128xf32>
    %max3A = arith.constant 0.000000e+00 : f32
    %max3A_29 = vector.broadcast %max3A : f32 to vector<1000x128xf32>
    %max3A_30 = arith.maximumf %add3A_28, %max3A_29 : vector<1000x128xf32>
    %get3A_31 = arith.constant 0 : index
    %get3A_32 = arith.constant 0 : index
    %get3A_33 = vector.load %arg5[%get3A_31, %get3A_32] : memref<128x128xf32, #tpu.memory_space<vmem>>, vector<128x128xf32>
    %dot_general3A = arith.constant dense<0.000000e+00> : vector<1000x128xf32>
    %dot_general3A_34 = tpu.matmul %max3A_30, %get3A_33, %dot_general3A {dimension_numbers = #tpu.dot_dimension_numbers<[1], [0], [0], [1], [0, 0, 1, 1], [], []>, transpose_lhs_hint = false} : vector<1000x128xf32>, vector<128x128xf32>, vector<1000x128xf32> -> vector<1000x128xf32>
    %get3A_35 = arith.constant 0 : index
    %get3A_36 = arith.constant 0 : index
    %get3A_37 = vector.load %arg6[%get3A_35, %get3A_36] : memref<1000x128xf32, #tpu.memory_space<vmem>>, vector<1000x128xf32>
    %get3A_38 = arith.constant 0 : index
    %get3A_39 = arith.constant 0 : index
    %get3A_40 = vector.load %arg7[%get3A_38, %get3A_39] : memref<128x128xf32, #tpu.memory_space<vmem>>, vector<128x128xf32>
    %dot_general3A_41 = arith.constant dense<0.000000e+00> : vector<1000x128xf32>
    %dot_general3A_42 = tpu.matmul %get3A_37, %get3A_40, %dot_general3A_41 {dimension_numbers = #tpu.dot_dimension_numbers<[1], [0], [0], [1], [0, 0, 1, 1], [], []>, transpose_lhs_hint = false} : vector<1000x128xf32>, vector<128x128xf32>, vector<1000x128xf32> -> vector<1000x128xf32>
    %add3A_43 = arith.addf %dot_general3A_34, %dot_general3A_42 : vector<1000x128xf32>
    %get3A_44 = arith.constant 0 : index
    %get3A_45 = arith.constant 0 : index
    %get3A_46 = vector.load %arg8[%get3A_44, %get3A_45] : memref<1x128xf32, #tpu.memory_space<vmem>>, vector<1x128xf32>
    %add3A_47 = vector.broadcast %get3A_46 : vector<1x128xf32> to vector<1000x128xf32>
    %add3A_48 = arith.addf %add3A_43, %add3A_47 : vector<1000x128xf32>
    %get3A_49 = arith.constant 0 : index
    %get3A_50 = arith.constant 0 : index
    %get3A_51 = vector.load %arg9[%get3A_49, %get3A_50] : memref<1x128xf32, #tpu.memory_space<vmem>>, vector<1x128xf32>
    %add3A_52 = vector.broadcast %get3A_51 : vector<1x128xf32> to vector<1000x128xf32>
    %add3A_53 = arith.addf %add3A_48, %add3A_52 : vector<1000x128xf32>
    %swap3A = arith.constant 0 : index
    %swap3A_54 = arith.constant 0 : index
    %swap3A_55 = vector.load %arg10[%swap3A, %swap3A_54] : memref<1000x128xf32, #tpu.memory_space<vmem>>, vector<1000x128xf32>
    tpu.vector_store %arg10[%swap3A, %swap3A_54], %add3A_53 {strides = array<i32>} : memref<1000x128xf32, #tpu.memory_space<vmem>>, vector<1000x128xf32>,
    return
  }
  func.func @transform_0(%arg0: i32) -> (i32, i32, i32) {
    %c0_i32 = arith.constant 0 : i32
    %c0_i32_0 = arith.constant 0 : i32
    %c0_i32_1 = arith.constant 0 : i32
    return %c0_i32, %arg0, %c0_i32_0 : i32, i32, i32
  }
  func.func @transform_1(%arg0: i32) -> (i32, i32, i32) {
    %c0_i32 = arith.constant 0 : i32
    %c0_i32_0 = arith.constant 0 : i32
    %c0_i32_1 = arith.constant 0 : i32
    return %c0_i32, %arg0, %c0_i32_0 : i32, i32, i32
  }
  func.func @transform_2(%arg0: i32) -> (i32, i32) {
    %c0_i32 = arith.constant 0 : i32
    %c0_i32_0 = arith.constant 0 : i32
    return %arg0, %c0_i32 : i32, i32
  }
  func.func @transform_3(%arg0: i32) -> (i32, i32) {
    %c0_i32 = arith.constant 0 : i32
    %c0_i32_0 = arith.constant 0 : i32
    %c0_i32_1 = arith.constant 0 : i32
    return %c0_i32, %c0_i32_0 : i32, i32
  }
  func.func @transform_4(%arg0: i32) -> (i32, i32) {
    %c0_i32 = arith.constant 0 : i32
    %c0_i32_0 = arith.constant 0 : i32
    %c0_i32_1 = arith.constant 0 : i32
    return %c0_i32, %c0_i32_0 : i32, i32
  }
  func.func @transform_5(%arg0: i32) -> (i32, i32) {
    %c0_i32 = arith.constant 0 : i32
    %c0_i32_0 = arith.constant 0 : i32
    return %arg0, %c0_i32 : i32, i32
  }
  func.func @transform_6(%arg0: i32) -> (i32, i32) {
    %c0_i32 = arith.constant 0 : i32
    %c0_i32_0 = arith.constant 0 : i32
    %c0_i32_1 = arith.constant 0 : i32
    return %c0_i32, %c0_i32_0 : i32, i32
  }
  func.func @transform_7(%arg0: i32) -> (i32, i32) {
    %c0_i32 = arith.constant 0 : i32
    %c0_i32_0 = arith.constant 0 : i32
    %c0_i32_1 = arith.constant 0 : i32
    return %c0_i32, %c0_i32_0 : i32, i32
  }
  func.func @transform_8(%arg0: i32) -> (i32, i32) {
    %c0_i32 = arith.constant 0 : i32
    %c0_i32_0 = arith.constant 0 : i32
    %c0_i32_1 = arith.constant 0 : i32
    return %c0_i32, %c0_i32_0 : i32, i32
  }
  func.func @transform_9(%arg0: i32) -> (i32, i32) {
    %c0_i32 = arith.constant 0 : i32
    %c0_i32_0 = arith.constant 0 : i32
    return %arg0, %c0_i32 : i32, i32
  }
}

</mosaic_0001>

<sc_bundles>
// kernel: kernel.11.cloned.1.call-start
scs
__scs_entry_jumppad:
0x0: {  	(pc) =	sbr.rel $0x88, $3  }
0x1: {  	(tag) =	ssettag $0x0;
	lr =	simm.s32 $0x1  }
0x2: {  	[smem:$0x3F97] =	sst lr;
	_ =	strace $0xD0000000  }
0x3: {  	_ = 	snop  }
0x4: {  	_ = 	snop  }
0x5: {  	_ = 	snop  }
0x6: {  	_ = 	snop  }
0x7: {  	_ = 	snop  }
__scs_overlays_trampoline_lowered:
0x8: {  	[smem:$0x3FA6] =	sst s0  }
0x9: {  	[smem:$0x3FA7] =	sst s1  }
0xa: {  	[smem:$0x3FA8] =	sst s2  }
0xb: {  	[smem:$0x3FA9] =	sst s3  }
0xc: {  	[smem:$0x3FAA] =	sst s4  }
0xd: {  	[smem:$0x3FAB] =	sst s5  }
0xe: {  	[smem:$0x3FAC] =	sst s6  }
0xf: {  	[smem:$0x3FAD] =	sst s7  }
0x10: {  	[smem:$0x3FAE] =	sst s8  }
0x11: {  	[smem:$0x3FAF] =	sst s9;
	s0 =	simm.s32 @!p0 $0x0  }
0x12: {  	s1 =	sld [smem:$0x3F95];
	s0 =	simm.s32 @p0 $0x1  }
0x13: {  	[smem:$0x3FB0] =	sst s0;
	s0 =	simm.s32 @!p1 $0x0  }
0x14: {  	s2 =	sld [smem:$0x3F94];
	s0 =	simm.s32 @p1 $0x1  }
0x15: {  	[smem:$0x3FB1] =	sst s0;
	s0 =	simm.s32 @!p2 $0x0  }
0x16: {  	s3 =	sld [smem:$0x3FDB];
	s0 =	simm.s32 @p2 $0x1  }
0x17: {  	s4 =	simm.s32 $0x1BF5;
	[smem:$0x3FB3] =	sst s0  }
0x18: {  	s0 =	sld [smem:$0x3F96];
	_ =	swait.ge [sflag:s4], $0x0  }
0x19: {  	s7 =	sld [smem:$0x3F97]  }
0x1a: {  	s8 =	sadd.s32 $0xFFFFE003, lr  }
0x1b: {  	s9 =	sadd.s32 $0xFFFFFEF7, lr;
	s5 =	simm.s32 $0xFFFFFFFF;
	p2 =	slt.u32 s8, $0xFFFFF086  }
0x1c: {  	p1 =	slt.u32 s9, $0xF7A;
	s5 =	simm.s32 @!p2 $0x0  }
0x1d: {  	s5 =	simm.s32 @p1 $0x1;
	p0 =	seq.s32 s7, s2  }
0x1e: {  	s7 =	smul.u32 @!p0 $0xF7A, s2;
	p2 =	seq.s32 @!p0 s5, $0x0  }
0x1f: {  	s9 =	smul.u32 $0xF7A, s1;
	s8 =	simm.s32 @!p0 $0x1BF5;
	p2 =	por !p2, p0  }
0x20: {  	[sflag:s8] =	ssyncset.s32 @!p0 $0xFFFFF086;
	s6 =	sadd.s32 @!p0 s3, s7;
	s7 =	simm.s32 @!p0 $0x108  }
0x21: {  	s3 =	sadd.s32 s3, s9;
	s6 =	sadd.s32 @!p0 $0x88, s6;
	s7 =	simm.s32 @p2 $0x1082  }
0x22: {  	[simem:s7], [sflag:s8] =	dma.local @!p0 [hbm:s6], $0xF7A  }
0x23: {  	s9 =	sor.u32 $0xD0000000, s2;
	s6 =	simm.s32 $0x108;
	_ =	swait.ge @!p0 [sflag:s8], $0x0  }
0x24: {  	s3 =	sadd.s32 $0x88, s3;
	s6 =	simm.s32 @!p1 $0x1082;
	[sflag:s4] =	ssyncset.s32 $0xFFFFF086  }
0x25: {  	[simem:s6], [sflag:s4] =	dma.local [hbm:s3], $0xF7A  }
0x26: {  	[smem:$0x3F97] =	sst s1;
	(tag) =	ssettag s2;
	_ =	strace s9  }
0x27: {  	s1 =	sld [smem:$0x3FA7]  }
0x28: {  	s2 =	sld [smem:$0x3FA8]  }
0x29: {  	s4 =	sld [smem:$0x3FAA]  }
0x2a: {  	p0 =	seq.s32 s5, $0x0;
	s5 =	sld [smem:$0x3FAB]  }
0x2b: {  	s6 =	sld [smem:$0x3FAC]  }
0x2c: {  	s7 =	sld [smem:$0x3FAD]  }
0x2d: {  	s3 =	simm.s32 $0x108;
	s8 =	sld [smem:$0x3FAE]  }
0x2e: {  	s3 =	simm.s32 @!p0 $0x1082;
	s9 =	sld [smem:$0x3FAF]  }
0x2f: {  	lr =	sadd.s32 s0, s3;
	s0 =	sld [smem:$0x3FA6]  }
0x30: {  	s3 =	sld [smem:$0x3FA9]  }
0x31: {  	[smem:$0x3FB2] =	sst s10  }
0x32: {  	s10 =	sld [smem:$0x3FB0];
	_ =	sdelay $0x3  }
0x33: {  	p0 =	seq.s32 s10, $0x1;
	s10 =	sld [smem:$0x3FB2];
	_ =	sdelay $0x3  }
0x34: {  	[smem:$0x3FB2] =	sst s10  }
0x35: {  	s10 =	sld [smem:$0x3FB1];
	_ =	sdelay $0x3  }
0x36: {  	p1 =	seq.s32 s10, $0x1;
	s10 =	sld [smem:$0x3FB2];
	_ =	sdelay $0x3  }
0x37: {  	[smem:$0x3FB2] =	sst s10  }
0x38: {  	s10 =	sld [smem:$0x3FB3]  }
0x39: {  	_ = 	snop;
	(pc) =	sbr.ind lr, $3  }
0x3a: {  	_ = 	snop  }
0x3b: {  	_ = 	snop  }
0x3c: {  	p2 =	seq.s32 s10, $0x1;
	s10 =	sld [smem:$0x3FB2]  }
0x3d: {  	_ =	shalt  }
0x3e: {  	_ =	shalt  }
0x3f: {  	_ =	shalt  }
0x40: {  	_ =	shalt  }
0x41: {  	_ =	shalt  }
0x42: {  	_ =	shalt  }
0x43: {  	_ =	shalt  }
0x44: {  	_ =	shalt  }
0x45: {  	_ =	shalt  }
0x46: {  	_ =	shalt  }
0x47: {  	_ =	shalt  }
0x48: {  	_ =	shalt  }
0x49: {  	_ =	shalt  }
0x4a: {  	_ =	shalt  }
0x4b: {  	_ =	shalt  }
0x4c: {  	_ =	shalt  }
0x4d: {  	_ =	shalt  }
0x4e: {  	_ =	shalt  }
0x4f: {  	_ =	shalt  }
0x50: {  	_ =	shalt  }
0x51: {  	_ =	shalt  }
0x52: {  	_ =	shalt  }
0x53: {  	_ =	shalt  }
0x54: {  	_ =	shalt  }
0x55: {  	_ =	shalt  }
0x56: {  	_ =	shalt  }
0x57: {  	_ =	shalt  }
0x58: {  	_ =	shalt  }
0x59: {  	_ =	shalt  }
0x5a: {  	_ =	shalt  }
0x5b: {  	_ =	shalt  }
0x5c: {  	_ =	shalt  }
0x5d: {  	_ =	shalt  }
0x5e: {  	_ =	shalt  }
0x5f: {  	_ =	shalt  }
0x60: {  	_ =	shalt  }
0x61: {  	_ =	shalt  }
0x62: {  	_ =	shalt  }
0x63: {  	_ =	shalt  }
0x64: {  	_ =	shalt  }
0x65: {  	_ =	shalt  }
0x66: {  	_ =	shalt  }
0x67: {  	_ =	shalt  }
0x68: {  	_ =	shalt  }
0x69: {  	_ =	shalt  }
0x6a: {  	_ =	shalt  }
0x6b: {  	_ =	shalt  }
0x6c: {  	_ =	shalt  }
0x6d: {  	_ =	shalt  }
0x6e: {  	_ =	shalt  }
0x6f: {  	_ =	shalt  }
0x70: {  	_ =	shalt  }
0x71: {  	_ =	shalt  }
0x72: {  	_ =	shalt  }
0x73: {  	_ =	shalt  }
0x74: {  	_ =	shalt  }
0x75: {  	_ =	shalt  }
0x76: {  	_ =	shalt  }
0x77: {  	_ =	shalt  }
0x78: {  	_ =	shalt  }
0x79: {  	_ =	shalt  }
0x7a: {  	_ =	shalt  }
0x7b: {  	_ =	shalt  }
0x7c: {  	_ =	shalt  }
0x7d: {  	_ =	shalt  }
0x7e: {  	_ =	shalt  }
0x7f: {  	_ =	shalt  }
0x80: {  	_ =	shalt  }
0x81: {  	_ =	shalt  }
0x82: {  	_ =	shalt  }
0x83: {  	_ =	shalt  }
0x84: {  	_ =	shalt  }
0x85: {  	_ =	shalt  }
0x86: {  	_ =	shalt  }
0x87: {  	_ =	shalt  }
.Lfunc_end0:
.L_simem_size_0:
called_computation.1_lowered:
.L_overlay_start_0:
0x88: {  	s2 =	sld [smem:$0x3FD9]  }
0x89: {  	s3 =	sld [smem:$0x3FFE];
	_ =	sdelay $0x1  }
0x8a: {  	s1 =	srdreg.scid  }
0x8b: {  	s0 =	sand.u32 $0x1, s1  }
0x8c: {  	s16 =	sshll.u32 s0, $0xA;
	s2 =	sadd.s32 s3, s2  }
0x8d: {  	s2 =	sadd.s32 s2, s16  }
0x8e: {  	[smem:$0x3FBE] =	sst s2  }
0x8f: {  	_ = 	snop  }
0x90: {  	(tm) =	ssettm $0x1  }
0x91: {  	s17 =	sld [smem:$0x3FFB];
	_ =	sdelay $0x3  }
0x92: {  	_ =	strace s17  }
0x93: {  	s2 =	sld [smem:$0x3FFC];
	_ =	sdelay $0x3  }
0x94: {  	_ =	strace s2  }
0x95: {  	s2 =	sld [smem:$0x3FFD];
	_ =	sdelay $0x3  }
0x96: {  	_ =	strace s2  }
0x97: {  	_ =	strace $0x8FFFFFFF  }
0x98: {  	s18 =	sld [smem:$0x3FDB];
	_ =	sdelay $0x1  }
0x99: {  	s19 =	simm.s32 $_scs_section_size  }
0x9a: {  	s4 =	simm.s32 $_size__tile_overlayer_lowered;
	s5 =	simm.s32 $_tile_overlayer_lowered  }
0x9b: {  	s22 =	simm.s32 $0x1BFF;
	s21 =	sshll.u32 s5, $0x1;
	s2 =	sadd.s32 s19, s18  }
0x9c: {  	s6 =	simm.s32 $0x0;
	s20 =	sshll.u32 s4, $0x1;
	s4 =	sadd.s32 s21, s2  }
0x9d: {  	[timem:s6], [sflag:s22] =	dma.local [hbm:s4], s20  }
0x9e: {  	_ =	swait.ge [sflag:s22], s20  }
0x9f: {  	s3 =	ssub.s32 $0x0, s20;
	[sflag:s22] =	ssyncset.done $0x0  }
0xa0: {  	[sflag:s22] =	ssyncadd.s32 s3;
	_ =	sdelay $0x1  }
0xa1: {  	s23 =	simm.s32 $0x1B8B  }
0xa2: {  	_ =	swait.ge [sflag:s23], $0x1  }
0xa3: {  	[sflag:s23] =	ssyncset.done $0x0  }
0xa4: {  	s25 =	simm.s32 $0x1B8E;
	s24 =	sld [smem:$0x3FFE];
	[sflag:s23] =	ssyncadd.s32 $0xFFFFFFFF  }
0xa5: {  	s26 =	simm.s32 $execute0_lowered;
	[smem:$0x3FD2] =	sst s25  }
0xa6: {  	s4 =	sshll.u32 s26, $0x1;
	_ =	strace $0x80000049;
	[dreg:$0x1] =	wrdreg $0xFFFFFFFF  }
0xa7: {  	s28 =	simm.s32 $_size_execute0_lowered;
	s2 =	sadd.s32 s2, s4;
	[dreg:$0x0] =	wrdreg $0x0  }
0xa8: {  	s4 =	sshll.u32 s28, $0x1;
	[dreg:$0x2] =	wrdreg s2  }
0xa9: {  	[dreg:$0x3] =	wrdreg s4  }
0xaa: {  	[dreg:$0x4] =	wrdreg $0xC0  }
0xab: {  	_ =	task [dreg:s6], $0x5FFFF  }
0xac: {  	[dreg:$0x1] =	wrdreg $0xFFFFFFFF  }
0xad: {  	[dreg:$0x0] =	wrdreg $0x60  }
0xae: {  	[dreg:$0x2] =	wrdreg s24  }
0xaf: {  	[dreg:$0x3] =	wrdreg $0x156000  }
0xb0: {  	[dreg:$0x4] =	wrdreg $0xB8000  }
0xb1: {  	[dreg:$0x5] =	wrdreg $0x9  }
0xb2: {  	_ =	task.clear_ibuf [dreg:s6], $0x6FFFF;
	_ =	strace $0x90000049  }
0xb3: {  	s29 =	simm.s32 $0x9;
	_ =	strace $0x8000004B  }
0xb4: {  	_ =	swait.ge [sflag:s29], $0x1  }
0xb5: {  	[sflag:s29] =	ssyncadd.s32 $0xFFFFFFFF  }
0xb6: {  	_ =	strace $0x9000004B  }
0xb7: {  	_ =	sfence  }
0xb8: {  	s30 =	sld [smem:$0x0];
	_ =	sdelay $0x2  }
0xb9: {  	s31 =	sshll.u32 s1, $0xD;
	s1 =	sshrl.u32 s1, $0x2  }
0xba: {  	s3 =	sand.u32 $0x4000, s31;
	s1 =	sadd.s32 s1, s30  }
0xbb: {  	s0 =	sor.u32 s3, s0;
	s1 =	sshll.u32 s1, $0x11  }
0xbc: {  	s0 =	sor.u32 s1, s0  }
0xbd: {  	s0 =	sadd.s32 $0x8F2B, s0  }
0xbe: {  	[sflag:s0] =	ssyncadd.remote.s32 $0x1  }
0xbf: {  	_ =	sfence.sel $0xFFFF  }
0xc0: {  	[dreg:$0x0] =	wrdreg $0xFFFFFFFF;
	(pc) =	sbr.abs _section_cstart, $3  }
0xc1: {  	[dreg:$0x1] =	wrdreg $0xFFFFFFFF  }
0xc2: {  	_ =	task.clear_ibuf [dreg:s6], $0x2FFFF;
	_ =	strace $0x9FFFFFFF  }
0xc3: {  	(tm) =	ssettm $0x7FFFFFFF  }
tec
execute0_lowered:
.L_overlay_start_1:
0x0: {  	(tag) =	ssettag $0x1  }
0x1: {  	s6 =	rddreg [dreg:$0x0]  }
0x2: {  	s1 =	rddreg [dreg:$0x1];
	s0 =	stileid.u32  }
0x3: {  	s2 =	srdreg.scid;
	s3 =	rddreg [dreg:$0x2];
	s4 =	simm.s32 $0x0  }
0x4: {  	s13 =	simm.s32 $0x5000;
	s17 =	simm.s32 $0x80;
	s18 =	simm.s32 $0x7800  }
0x5: {  	s19 =	simm.s32 $0x9800;
	s20 =	simm.s32 $0x1;
	s21 =	simm.s32 $0x2  }
0x6: {  	s22 =	simm.s32 $0x4F80;
	s23 =	simm.s32 $0x7700;
	s24 =	simm.s32 $0x7780  }
0x7: {  	s5 =	smul.u32 $0x5000, s0;
	s7 =	sand.u32 $0x1, s2;
	s2 =	rddreg [dreg:$0x3]  }
0x8: {  	s25 =	simm.s32 $0x0;
	s8 =	smul.u32 $0x9E00, s0;
	[smem:$0x7FF] =	sst s4  }
0x9: {  	s14 =	sshll.u32 s0, $0x6;
	s9 =	smul.u32 $0x9E000, s7;
	_ =	strace $0x8000004A  }
0xa: {  	s7 =	ssub.s32 $0x2, s7;
	s14 =	sor.u32 $0x1C03, s14;
	s5 =	sshrl.u32 s5, $0x3  }
0xb: {  	s31 =	sshrl.u32 s7, $0x1;
	s15 =	sadd.s32 s8, s1;
	s16 =	sadd.s32 s8, s3  }
0xc: {  	s9 =	sadd.s32 s8, s9;
	s10 =	sadd.s32 s5, s6;
	s5 =	sadd.s32 $0x8E000, s6  }
0xd: {  	s12 =	ssub.s32 s7, s31;
	s15 =	sshrl.u32 s15, $0x3;
	s9 =	sshrl.u32 s9, $0x3  }
0xe: {  	s16 =	sshrl.u32 s16, $0x3;
	s7 =	sadd.s32 $0x3400, s10;
	s11 =	sadd.s32 s9, s6  }
0xf: {  	s6 =	sadd.s32 $0xD800, s10;
	s9 =	sadd.s32 $0x3900, s10;
	s8 =	sadd.s32 $0x66800, s11  }
0x10: {  	s10 =	sadd.s32 $0x8F400, s11;
	s11 =	smax.u32 s12, $0x1;
	s12 =	simm.s32 $0x3  }
.LBB2_1:
0x11: {  	[tilespmem:s4], [sflag:$0x3] =	stream.linear.gather [hbm4b:s6+s4], $0x5000, $0x38;
	[tilespmem:$0x1F400] =	vst v63  }
0x12: {  	_ =	swait.ge [sflag:s12], $0x5000  }
0x13: {  	[sflag:s12] =	ssyncset.done $0x0  }
0x14: {  	[sflag:s12] =	ssyncadd.s32 $0xFFFFB000  }
0x15: {  	[tilespmem:s13], [sflag:$0x3] =	stream.linear.gather [hbm4b:s7+s4], $0x2800, $0x38;
	[tilespmem:$0x1F400] =	vst v63  }
0x16: {  	_ =	swait.ge [sflag:s12], $0x2800  }
0x17: {  	[sflag:s12] =	ssyncset.done $0x0  }
0x18: {  	[sflag:s12] =	ssyncadd.s32 $0xFFFFD800  }
0x19: {  	[spmem:s15], [sflag:s14] =	dma.local [hbm:s5], $0x13C0  }
0x1a: {  	_ =	swait.ge [sflag:s12], $0x13C0  }
0x1b: {  	[sflag:s12] =	ssyncset.done $0x0  }
0x1c: {  	[sflag:s12] =	ssyncadd.s32 $0xFFFFEC40  }
0x1d: {  	[spmem:s16], [sflag:s14] =	dma.local [hbm:s8], $0x13C0  }
0x1e: {  	_ =	swait.ge [sflag:s12], $0x13C0  }
0x1f: {  	[sflag:s12] =	ssyncset.done $0x0  }
0x20: {  	[sflag:s12] =	ssyncadd.s32 $0xFFFFEC40  }
0x21: {  	[bflag:$0x0] =	sbarrier.arrive $0xFFFF  }
0x22: {  	[tilespmem:s18], [sflag:$0x1] =	stream.indirect.gather [spmem:s3], $0x40, s4, s17, $0xb8;
	[tilespmem:$0x1F400] =	vst v63  }
0x23: {  	s26 =	simm.s32 $0x80  }
0x24: {  	[tilespmem:s19], [sflag:$0x2] =	stream.indirect.gather [spmem:s3], $0x40, s26, s17, $0xb8;
	[tilespmem:$0x1F400] =	vst v63  }
0x25: {  	_ =	swait.ge [sflag:s20], $0x2000  }
0x26: {  	[sflag:s20] =	ssyncset.done $0x0  }
0x27: {  	s29 =	simm.s32 $0x5000;
	[sflag:s20] =	ssyncadd.s32 $0xFFFFE000  }
0x28: {  	[spmem:s1] =	stream.indirect.scatter.add.f32 [tilespmem:s18], [sflag:$0x3], $0x40, s29, s17, $0xb8;
	[tilespmem:$0x1F400] =	vst v63  }
0x29: {  	_ =	swait.ge [sflag:s12], $0x2000  }
0x2a: {  	[sflag:s12] =	ssyncset.done $0x0  }
0x2b: {  	s30 =	simm.s32 $0x100;
	[sflag:s12] =	ssyncadd.s32 $0xFFFFE000  }
0x2c: {  	[tilespmem:s18], [sflag:$0x1] =	stream.indirect.gather [spmem:s3], $0x40, s30, s17, $0xb8;
	[tilespmem:$0x1F400] =	vst v63  }
0x2d: {  	_ =	swait.ge [sflag:s21], $0x2000  }
0x2e: {  	[sflag:s21] =	ssyncset.done $0x0  }
0x2f: {  	s31 =	simm.s32 $0x5080;
	[sflag:s21] =	ssyncadd.s32 $0xFFFFE000  }
0x30: {  	[spmem:s1] =	stream.indirect.scatter.add.f32 [tilespmem:s19], [sflag:$0x3], $0x40, s31, s17, $0xb8;
	[tilespmem:$0x1F400] =	vst v63  }
0x31: {  	_ =	swait.ge [sflag:s12], $0x2000  }
0x32: {  	s28 =	simm.s32 $0x800;
	s26 =	simm.s32 $0x100;
	[sflag:s12] =	ssyncset.done $0x0  }
.LBB2_2:
0x33: {  	s29 =	sadd.s32 $0x80, s26  }
0x34: {  	[sflag:s12] =	ssyncadd.s32 $0xFFFFE000;
	s30 =	smov.u32 s28;
	s31 =	sadd.s32 $0x400, s28  }
0x35: {  	[tilespmem:s19], [sflag:$0x2] =	stream.indirect.gather [spmem:s3], $0x40, s29, s17, $0xb8;
	[tilespmem:$0x1F400] =	vst v63  }
0x36: {  	p0 =	sne.s32 s28, $0x9C00;
	_ =	swait.ge [sflag:s20], $0x2000  }
0x37: {  	[sflag:s20] =	ssyncset.done $0x0  }
0x38: {  	s28 =	sadd.s32 $0x5000, s26;
	[sflag:s20] =	ssyncadd.s32 $0xFFFFE000  }
0x39: {  	[spmem:s1] =	stream.indirect.scatter.add.f32 [tilespmem:s18], [sflag:$0x3], $0x40, s28, s17, $0xb8;
	[tilespmem:$0x1F400] =	vst v63  }
0x3a: {  	_ =	swait.ge [sflag:s12], $0x2000  }
0x3b: {  	[sflag:s12] =	ssyncset.done $0x0  }
0x3c: {  	s28 =	sadd.s32 $0x100, s26;
	[sflag:s12] =	ssyncadd.s32 $0xFFFFE000  }
0x3d: {  	[tilespmem:s18], [sflag:$0x1] =	stream.indirect.gather [spmem:s3], $0x40, s28, s17, $0xb8;
	[tilespmem:$0x1F400] =	vst v63  }
0x3e: {  	_ =	swait.ge [sflag:s21], $0x2000  }
.Ltmp0:
0x3f: {  	[sflag:s21] =	ssyncset.done $0x0;
	(pc) =	sbr.rel @p0 .LBB2_2-.Ltmp0, $4  }
0x40: {  	s26 =	sadd.s32 $0x5080, s26;
	[sflag:s21] =	ssyncadd.s32 $0xFFFFE000  }
0x41: {  	[spmem:s1] =	stream.indirect.scatter.add.f32 [tilespmem:s19], [sflag:$0x3], $0x40, s26, s17, $0xb8;
	[tilespmem:$0x1F400] =	vst v63  }
0x42: {  	_ =	swait.ge [sflag:s12], $0x2000  }
0x43: {  	s28 =	smov.u32 s31;
	s26 =	sshra.s32 s30, $0x2;
	[sflag:s12] =	ssyncset.done $0x0  }
0x44: {  	s28 =	sadd.s32 $0x80, s26;
	[sflag:s12] =	ssyncadd.s32 $0xFFFFE000  }
0x45: {  	[tilespmem:s19], [sflag:$0x2] =	stream.indirect.gather [spmem:s3], $0x40, s28, s17, $0xb8;
	[tilespmem:$0x1F400] =	vst v63  }
0x46: {  	_ =	swait.ge [sflag:s20], $0x2000  }
0x47: {  	[sflag:s20] =	ssyncset.done $0x0  }
0x48: {  	s28 =	sadd.s32 $0x5000, s26;
	[sflag:s20] =	ssyncadd.s32 $0xFFFFE000  }
0x49: {  	[spmem:s1] =	stream.indirect.scatter.add.f32 [tilespmem:s18], [sflag:$0x3], $0x40, s28, s17, $0xb8;
	[tilespmem:$0x1F400] =	vst v63  }
0x4a: {  	_ =	swait.ge [sflag:s12], $0x2000  }
0x4b: {  	[sflag:s12] =	ssyncset.done $0x0  }
0x4c: {  	s28 =	sadd.s32 $0x100, s26;
	[sflag:s12] =	ssyncadd.s32 $0xFFFFE000  }
0x4d: {  	[tilespmem:s18], [sflag:$0x1] =	stream.indirect.gather [spmem:s3], $0x40, s28, s17, $0xb8;
	[tilespmem:$0x1F400] =	vst v63  }
0x4e: {  	_ =	swait.ge [sflag:s21], $0x2000  }
0x4f: {  	[sflag:s21] =	ssyncset.done $0x0  }
0x50: {  	s29 =	sadd.s32 $0x5080, s26;
	[sflag:s21] =	ssyncadd.s32 $0xFFFFE000  }
0x51: {  	[spmem:s1] =	stream.indirect.scatter.add.f32 [tilespmem:s19], [sflag:$0x3], $0x40, s29, s17, $0xb8;
	[tilespmem:$0x1F400] =	vst v63  }
0x52: {  	_ =	swait.ge [sflag:s12], $0x2000  }
0x53: {  	[sflag:s12] =	ssyncset.done $0x0  }
0x54: {  	s30 =	simm.s32 $0x0;
	[sflag:s12] =	ssyncadd.s32 $0xFFFFE000  }
0x55: {  	[tilespmem:s13], [sflag:$0x3] =	stream.linear.gather [hbm4b:s9+s30], $0x2800, $0x38;
	[tilespmem:$0x1F400] =	vst v63  }
0x56: {  	_ =	swait.ge [sflag:s12], $0x2800  }
0x57: {  	[sflag:s12] =	ssyncset.done $0x0  }
0x58: {  	s31 =	simm.s32 $0x2880;
	[sflag:s12] =	ssyncadd.s32 $0xFFFFD800  }
0x59: {  	[tilespmem:s19], [sflag:$0x2] =	stream.indirect.gather [spmem:s3], $0x40, s31, s17, $0xb8;
	[tilespmem:$0x1F400] =	vst v63  }
0x5a: {  	_ =	swait.ge [sflag:s20], $0x2000  }
0x5b: {  	[sflag:s20] =	ssyncset.done $0x0  }
0x5c: {  	s29 =	simm.s32 $0x5000;
	[sflag:s20] =	ssyncadd.s32 $0xFFFFE000  }
0x5d: {  	[spmem:s1] =	stream.indirect.scatter.add.f32 [tilespmem:s18], [sflag:$0x3], $0x40, s29, s17, $0xb8;
	[tilespmem:$0x1F400] =	vst v63  }
0x5e: {  	_ =	swait.ge [sflag:s12], $0x2000  }
0x5f: {  	[sflag:s12] =	ssyncset.done $0x0  }
0x60: {  	s30 =	simm.s32 $0x2900;
	[sflag:s12] =	ssyncadd.s32 $0xFFFFE000  }
0x61: {  	[tilespmem:s18], [sflag:$0x1] =	stream.indirect.gather [spmem:s3], $0x40, s30, s17, $0xb8;
	[tilespmem:$0x1F400] =	vst v63  }
0x62: {  	_ =	swait.ge [sflag:s21], $0x2000  }
0x63: {  	[sflag:s21] =	ssyncset.done $0x0  }
0x64: {  	s31 =	simm.s32 $0x5080;
	[sflag:s21] =	ssyncadd.s32 $0xFFFFE000  }
0x65: {  	[spmem:s1] =	stream.indirect.scatter.add.f32 [tilespmem:s19], [sflag:$0x3], $0x40, s31, s17, $0xb8;
	[tilespmem:$0x1F400] =	vst v63  }
0x66: {  	_ =	swait.ge [sflag:s12], $0x2000  }
0x67: {  	s26 =	simm.s32 $0x100;
	s28 =	simm.s32 $0x800;
	[sflag:s12] =	ssyncset.done $0x0  }
.LBB2_4:
0x68: {  	s29 =	sadd.s32 $0x2880, s26  }
0x69: {  	[sflag:s12] =	ssyncadd.s32 $0xFFFFE000;
	s30 =	smov.u32 s28;
	s31 =	sadd.s32 $0x400, s28  }
0x6a: {  	[tilespmem:s19], [sflag:$0x2] =	stream.indirect.gather [spmem:s3], $0x40, s29, s17, $0xb8;
	[tilespmem:$0x1F400] =	vst v63  }
0x6b: {  	p0 =	sne.s32 s28, $0x9800;
	_ =	swait.ge [sflag:s20], $0x2000  }
0x6c: {  	[sflag:s20] =	ssyncset.done $0x0  }
0x6d: {  	s28 =	sadd.s32 $0x5000, s26;
	[sflag:s20] =	ssyncadd.s32 $0xFFFFE000  }
0x6e: {  	[spmem:s1] =	stream.indirect.scatter.add.f32 [tilespmem:s18], [sflag:$0x3], $0x40, s28, s17, $0xb8;
	[tilespmem:$0x1F400] =	vst v63  }
0x6f: {  	_ =	swait.ge [sflag:s12], $0x2000  }
0x70: {  	[sflag:s12] =	ssyncset.done $0x0  }
0x71: {  	s28 =	sadd.s32 $0x2900, s26;
	[sflag:s12] =	ssyncadd.s32 $0xFFFFE000  }
0x72: {  	[tilespmem:s18], [sflag:$0x1] =	stream.indirect.gather [spmem:s3], $0x40, s28, s17, $0xb8;
	[tilespmem:$0x1F400] =	vst v63  }
0x73: {  	_ =	swait.ge [sflag:s21], $0x2000  }
.Ltmp1:
0x74: {  	[sflag:s21] =	ssyncset.done $0x0;
	(pc) =	sbr.rel @p0 .LBB2_4-.Ltmp1, $4  }
0x75: {  	s26 =	sadd.s32 $0x5080, s26;
	[sflag:s21] =	ssyncadd.s32 $0xFFFFE000  }
0x76: {  	[spmem:s1] =	stream.indirect.scatter.add.f32 [tilespmem:s19], [sflag:$0x3], $0x40, s26, s17, $0xb8;
	[tilespmem:$0x1F400] =	vst v63  }
0x77: {  	_ =	swait.ge [sflag:s12], $0x2000  }
0x78: {  	s28 =	smov.u32 s31;
	s26 =	sshra.s32 s30, $0x2;
	[sflag:s12] =	ssyncset.done $0x0  }
0x79: {  	s28 =	sadd.s32 $0x2880, s26;
	[sflag:s12] =	ssyncadd.s32 $0xFFFFE000  }
0x7a: {  	[tilespmem:s19], [sflag:$0x2] =	stream.indirect.gather [spmem:s3], $0x40, s28, s17, $0xb8;
	[tilespmem:$0x1F400] =	vst v63  }
0x7b: {  	_ =	swait.ge [sflag:s20], $0x2000  }
0x7c: {  	[sflag:s20] =	ssyncset.done $0x0  }
0x7d: {  	s29 =	sadd.s32 $0x5000, s26;
	[sflag:s20] =	ssyncadd.s32 $0xFFFFE000  }
0x7e: {  	[spmem:s1] =	stream.indirect.scatter.add.f32 [tilespmem:s18], [sflag:$0x3], $0x40, s29, s17, $0xb8;
	[tilespmem:$0x1F400] =	vst v63  }
0x7f: {  	_ =	swait.ge [sflag:s12], $0x2000  }
0x80: {  	[sflag:s12] =	ssyncset.done $0x0  }
0x81: {  	s30 =	sadd.s32 $0x2900, s26;
	[sflag:s12] =	ssyncadd.s32 $0xFFFFE000  }
0x82: {  	[tilespmem:s18], [sflag:$0x1] =	stream.indirect.gather [spmem:s3], $0x40, s30, s17, $0xb8;
	[tilespmem:$0x1F400] =	vst v63  }
0x83: {  	_ =	swait.ge [sflag:s21], $0x2000  }
0x84: {  	[sflag:s21] =	ssyncset.done $0x0  }
0x85: {  	s31 =	sadd.s32 $0x5080, s26;
	[sflag:s21] =	ssyncadd.s32 $0xFFFFE000  }
0x86: {  	[spmem:s1] =	stream.indirect.scatter.add.f32 [tilespmem:s19], [sflag:$0x3], $0x40, s31, s17, $0xb8;
	[tilespmem:$0x1F400] =	vst v63  }
0x87: {  	_ =	swait.ge [sflag:s12], $0x2000  }
0x88: {  	[sflag:s12] =	ssyncset.done $0x0  }
0x89: {  	[sflag:s12] =	ssyncadd.s32 $0xFFFFE000  }
0x8a: {  	[tilespmem:s19], [sflag:$0x2] =	stream.indirect.gather [spmem:s3], $0x40, s22, s17, $0xb8;
	[tilespmem:$0x1F400] =	vst v63  }
0x8b: {  	_ =	swait.ge [sflag:s20], $0x2000  }
0x8c: {  	[sflag:s20] =	ssyncset.done $0x0  }
0x8d: {  	[sflag:s20] =	ssyncadd.s32 $0xFFFFE000  }
0x8e: {  	[spmem:s1] =	stream.indirect.scatter.add.f32 [tilespmem:s18], [sflag:$0x3], $0x40, s23, s17, $0xb8;
	[tilespmem:$0x1F400] =	vst v63  }
0x8f: {  	_ =	swait.ge [sflag:s12], $0x2000  }
0x90: {  	[sflag:s12] =	ssyncset.done $0x0  }
0x91: {  	[sflag:s12] =	ssyncadd.s32 $0xFFFFE000  }
0x92: {  	_ =	swait.ge [sflag:s21], $0x2000  }
0x93: {  	[sflag:s21] =	ssyncset.done $0x0  }
0x94: {  	[sflag:s21] =	ssyncadd.s32 $0xFFFFE000  }
0x95: {  	[spmem:s1] =	stream.indirect.scatter.add.f32 [tilespmem:s19], [sflag:$0x3], $0x40, s24, s17, $0xb8;
	[tilespmem:$0x1F400] =	vst v63  }
0x96: {  	_ =	swait.ge [sflag:s12], $0x2000  }
0x97: {  	s25 =	sadd.s32 $0x1, s25;
	[sflag:s12] =	ssyncset.done $0x0  }
0x98: {  	p0 =	sne.s32 s25, s11;
	[sflag:s12] =	ssyncadd.s32 $0xFFFFE000  }
.Ltmp2:
0x99: {  	[bflag:$0x0] =	sbarrier.arrive $0xFFFF;
	(pc) =	sbr.rel @p0 .LBB2_1-.Ltmp2, $4  }
0x9a: {  	[hbm:s10], [sflag:s14] =	dma.local [spmem:s15], $0x13C0  }
0x9b: {  	_ =	swait.ge [sflag:s12], $0x13C0  }
0x9c: {  	[sflag:s12] =	ssyncset.done $0x0  }
0x9d: {  	[sflag:s12] =	ssyncadd.s32 $0xFFFFEC40  }
0x9e: {  	_ =	sfence.sel $0x180000  }
0x9f: {  	[bflag:$0x0] =	sbarrier.arrive $0xFFFF  }
0xa0: {  	p0 =	sne.s32 s0, $0x0;
	_ =	strace $0x9000004A  }
0xa1: {  	s0 =	sadd.s32 @!p0 $0x100000, s2;
	[bflag:$0x2] =	sbarrier.arrive $0xFFFF  }
0xa2: {  	[sflag:s0] =	ssyncadd.tile.s32 @!p0 $0x1;
	_ =	shalt  }
.Lfunc_end2:
_tile_overlayer_lowered:
.L_overlay_start_2:
0xa3: {  	(tag) =	ssettag $0x2  }
0xa4: {  	s0 =	rddreg [dreg:$0x0];
	s2 =	stileid.u32  }
0xa5: {  	s1 =	rddreg [dreg:$0x1];
	p0 =	sne.s32 s2, $0x0  }
0xa6: {  	s3 =	rddreg [dreg:$0x2];
	[bflag:$0x3] =	sbarrier.arrive $0xFFFF;
	s2 =	simm.s32 @!p0 $0x1C03  }
0xa7: {  	[timem:s3], [sflag:s2] =	dma.local @!p0 [hbm:s0], s1  }
0xa8: {  	s0 =	simm.s32 @!p0 $0x3  }
0xa9: {  	_ =	swait.ge @!p0 [sflag:s0], s1  }
0xaa: {  	s1 =	ssub.s32 @!p0 $0x0, s1;
	[sflag:s0] =	ssyncset.done @!p0 $0x0  }
0xab: {  	[sflag:s0] =	ssyncadd.s32 @!p0 s1  }
0xac: {  	[bflag:$0x3] =	sbarrier.arrive $0xFFFF  }
0xad: {  	_ =	shalt  }

// kernel: kernel.14.cloned.1.call-start
scs
__scs_entry_jumppad:
0x0: {  	(pc) =	sbr.rel $0x88, $3  }
0x1: {  	(tag) =	ssettag $0x0;
	lr =	simm.s32 $0x1  }
0x2: {  	[smem:$0x3F97] =	sst lr;
	_ =	strace $0xD0000000  }
0x3: {  	_ = 	snop  }
0x4: {  	_ = 	snop  }
0x5: {  	_ = 	snop  }
0x6: {  	_ = 	snop  }
0x7: {  	_ = 	snop  }
__scs_overlays_trampoline_lowered:
0x8: {  	[smem:$0x3FA6] =	sst s0  }
0x9: {  	[smem:$0x3FA7] =	sst s1  }
0xa: {  	[smem:$0x3FA8] =	sst s2  }
0xb: {  	[smem:$0x3FA9] =	sst s3  }
0xc: {  	[smem:$0x3FAA] =	sst s4  }
0xd: {  	[smem:$0x3FAB] =	sst s5  }
0xe: {  	[smem:$0x3FAC] =	sst s6  }
0xf: {  	[smem:$0x3FAD] =	sst s7  }
0x10: {  	[smem:$0x3FAE] =	sst s8  }
0x11: {  	[smem:$0x3FAF] =	sst s9;
	s0 =	simm.s32 @!p0 $0x0  }
0x12: {  	s1 =	sld [smem:$0x3F95];
	s0 =	simm.s32 @p0 $0x1  }
0x13: {  	[smem:$0x3FB0] =	sst s0;
	s0 =	simm.s32 @!p1 $0x0  }
0x14: {  	s2 =	sld [smem:$0x3F94];
	s0 =	simm.s32 @p1 $0x1  }
0x15: {  	[smem:$0x3FB1] =	sst s0;
	s0 =	simm.s32 @!p2 $0x0  }
0x16: {  	s3 =	sld [smem:$0x3FDB];
	s0 =	simm.s32 @p2 $0x1  }
0x17: {  	s4 =	simm.s32 $0x1BF5;
	[smem:$0x3FB3] =	sst s0  }
0x18: {  	s0 =	sld [smem:$0x3F96];
	_ =	swait.ge [sflag:s4], $0x0  }
0x19: {  	s7 =	sld [smem:$0x3F97]  }
0x1a: {  	s8 =	sadd.s32 $0xFFFFE003, lr  }
0x1b: {  	s9 =	sadd.s32 $0xFFFFFEF7, lr;
	s5 =	simm.s32 $0xFFFFFFFF;
	p2 =	slt.u32 s8, $0xFFFFF086  }
0x1c: {  	p1 =	slt.u32 s9, $0xF7A;
	s5 =	simm.s32 @!p2 $0x0  }
0x1d: {  	s5 =	simm.s32 @p1 $0x1;
	p0 =	seq.s32 s7, s2  }
0x1e: {  	s7 =	smul.u32 @!p0 $0xF7A, s2;
	p2 =	seq.s32 @!p0 s5, $0x0  }
0x1f: {  	s9 =	smul.u32 $0xF7A, s1;
	s8 =	simm.s32 @!p0 $0x1BF5;
	p2 =	por !p2, p0  }
0x20: {  	[sflag:s8] =	ssyncset.s32 @!p0 $0xFFFFF086;
	s6 =	sadd.s32 @!p0 s3, s7;
	s7 =	simm.s32 @!p0 $0x108  }
0x21: {  	s3 =	sadd.s32 s3, s9;
	s6 =	sadd.s32 @!p0 $0x88, s6;
	s7 =	simm.s32 @p2 $0x1082  }
0x22: {  	[simem:s7], [sflag:s8] =	dma.local @!p0 [hbm:s6], $0xF7A  }
0x23: {  	s9 =	sor.u32 $0xD0000000, s2;
	s6 =	simm.s32 $0x108;
	_ =	swait.ge @!p0 [sflag:s8], $0x0  }
0x24: {  	s3 =	sadd.s32 $0x88, s3;
	s6 =	simm.s32 @!p1 $0x1082;
	[sflag:s4] =	ssyncset.s32 $0xFFFFF086  }
0x25: {  	[simem:s6], [sflag:s4] =	dma.local [hbm:s3], $0xF7A  }
0x26: {  	[smem:$0x3F97] =	sst s1;
	(tag) =	ssettag s2;
	_ =	strace s9  }
0x27: {  	s1 =	sld [smem:$0x3FA7]  }
0x28: {  	s2 =	sld [smem:$0x3FA8]  }
0x29: {  	s4 =	sld [smem:$0x3FAA]  }
0x2a: {  	p0 =	seq.s32 s5, $0x0;
	s5 =	sld [smem:$0x3FAB]  }
0x2b: {  	s6 =	sld [smem:$0x3FAC]  }
0x2c: {  	s7 =	sld [smem:$0x3FAD]  }
0x2d: {  	s3 =	simm.s32 $0x108;
	s8 =	sld [smem:$0x3FAE]  }
0x2e: {  	s3 =	simm.s32 @!p0 $0x1082;
	s9 =	sld [smem:$0x3FAF]  }
0x2f: {  	lr =	sadd.s32 s0, s3;
	s0 =	sld [smem:$0x3FA6]  }
0x30: {  	s3 =	sld [smem:$0x3FA9]  }
0x31: {  	[smem:$0x3FB2] =	sst s10  }
0x32: {  	s10 =	sld [smem:$0x3FB0];
	_ =	sdelay $0x3  }
0x33: {  	p0 =	seq.s32 s10, $0x1;
	s10 =	sld [smem:$0x3FB2];
	_ =	sdelay $0x3  }
0x34: {  	[smem:$0x3FB2] =	sst s10  }
0x35: {  	s10 =	sld [smem:$0x3FB1];
	_ =	sdelay $0x3  }
0x36: {  	p1 =	seq.s32 s10, $0x1;
	s10 =	sld [smem:$0x3FB2];
	_ =	sdelay $0x3  }
0x37: {  	[smem:$0x3FB2] =	sst s10  }
0x38: {  	s10 =	sld [smem:$0x3FB3]  }
0x39: {  	_ = 	snop;
	(pc) =	sbr.ind lr, $3  }
0x3a: {  	_ = 	snop  }
0x3b: {  	_ = 	snop  }
0x3c: {  	p2 =	seq.s32 s10, $0x1;
	s10 =	sld [smem:$0x3FB2]  }
0x3d: {  	_ =	shalt  }
0x3e: {  	_ =	shalt  }
0x3f: {  	_ =	shalt  }
0x40: {  	_ =	shalt  }
0x41: {  	_ =	shalt  }
0x42: {  	_ =	shalt  }
0x43: {  	_ =	shalt  }
0x44: {  	_ =	shalt  }
0x45: {  	_ =	shalt  }
0x46: {  	_ =	shalt  }
0x47: {  	_ =	shalt  }
0x48: {  	_ =	shalt  }
0x49: {  	_ =	shalt  }
0x4a: {  	_ =	shalt  }
0x4b: {  	_ =	shalt  }
0x4c: {  	_ =	shalt  }
0x4d: {  	_ =	shalt  }
0x4e: {  	_ =	shalt  }
0x4f: {  	_ =	shalt  }
0x50: {  	_ =	shalt  }
0x51: {  	_ =	shalt  }
0x52: {  	_ =	shalt  }
0x53: {  	_ =	shalt  }
0x54: {  	_ =	shalt  }
0x55: {  	_ =	shalt  }
0x56: {  	_ =	shalt  }
0x57: {  	_ =	shalt  }
0x58: {  	_ =	shalt  }
0x59: {  	_ =	shalt  }
0x5a: {  	_ =	shalt  }
0x5b: {  	_ =	shalt  }
0x5c: {  	_ =	shalt  }
0x5d: {  	_ =	shalt  }
0x5e: {  	_ =	shalt  }
0x5f: {  	_ =	shalt  }
0x60: {  	_ =	shalt  }
0x61: {  	_ =	shalt  }
0x62: {  	_ =	shalt  }
0x63: {  	_ =	shalt  }
0x64: {  	_ =	shalt  }
0x65: {  	_ =	shalt  }
0x66: {  	_ =	shalt  }
0x67: {  	_ =	shalt  }
0x68: {  	_ =	shalt  }
0x69: {  	_ =	shalt  }
0x6a: {  	_ =	shalt  }
0x6b: {  	_ =	shalt  }
0x6c: {  	_ =	shalt  }
0x6d: {  	_ =	shalt  }
0x6e: {  	_ =	shalt  }
0x6f: {  	_ =	shalt  }
0x70: {  	_ =	shalt  }
0x71: {  	_ =	shalt  }
0x72: {  	_ =	shalt  }
0x73: {  	_ =	shalt  }
0x74: {  	_ =	shalt  }
0x75: {  	_ =	shalt  }
0x76: {  	_ =	shalt  }
0x77: {  	_ =	shalt  }
0x78: {  	_ =	shalt  }
0x79: {  	_ =	shalt  }
0x7a: {  	_ =	shalt  }
0x7b: {  	_ =	shalt  }
0x7c: {  	_ =	shalt  }
0x7d: {  	_ =	shalt  }
0x7e: {  	_ =	shalt  }
0x7f: {  	_ =	shalt  }
0x80: {  	_ =	shalt  }
0x81: {  	_ =	shalt  }
0x82: {  	_ =	shalt  }
0x83: {  	_ =	shalt  }
0x84: {  	_ =	shalt  }
0x85: {  	_ =	shalt  }
0x86: {  	_ =	shalt  }
0x87: {  	_ =	shalt  }
.Lfunc_end0:
.L_simem_size_0:
called_computation.2_lowered:
.L_overlay_start_0:
0x88: {  	s2 =	sld [smem:$0x3FD9]  }
0x89: {  	s3 =	sld [smem:$0x3FFE];
	_ =	sdelay $0x1  }
0x8a: {  	s1 =	srdreg.scid  }
0x8b: {  	s0 =	sand.u32 $0x1, s1  }
0x8c: {  	s16 =	sshll.u32 s0, $0xA;
	s2 =	sadd.s32 s3, s2  }
0x8d: {  	s2 =	sadd.s32 s2, s16  }
0x8e: {  	[smem:$0x3FBE] =	sst s2  }
0x8f: {  	_ = 	snop  }
0x90: {  	(tm) =	ssettm $0x1  }
0x91: {  	s17 =	sld [smem:$0x3FFB];
	_ =	sdelay $0x3  }
0x92: {  	_ =	strace s17  }
0x93: {  	s2 =	sld [smem:$0x3FFC];
	_ =	sdelay $0x3  }
0x94: {  	_ =	strace s2  }
0x95: {  	s2 =	sld [smem:$0x3FFD];
	_ =	sdelay $0x3  }
0x96: {  	_ =	strace s2  }
0x97: {  	_ =	strace $0x8FFFFFFF  }
0x98: {  	s18 =	sld [smem:$0x3FDB];
	_ =	sdelay $0x1  }
0x99: {  	s19 =	simm.s32 $_scs_section_size  }
0x9a: {  	s4 =	simm.s32 $_size__tile_overlayer_lowered;
	s5 =	simm.s32 $_tile_overlayer_lowered  }
0x9b: {  	s22 =	simm.s32 $0x1BFF;
	s21 =	sshll.u32 s5, $0x1;
	s2 =	sadd.s32 s19, s18  }
0x9c: {  	s6 =	simm.s32 $0x0;
	s20 =	sshll.u32 s4, $0x1;
	s4 =	sadd.s32 s21, s2  }
0x9d: {  	[timem:s6], [sflag:s22] =	dma.local [hbm:s4], s20  }
0x9e: {  	_ =	swait.ge [sflag:s22], s20  }
0x9f: {  	s3 =	ssub.s32 $0x0, s20;
	[sflag:s22] =	ssyncset.done $0x0  }
0xa0: {  	[sflag:s22] =	ssyncadd.s32 s3;
	_ =	sdelay $0x1  }
0xa1: {  	s23 =	simm.s32 $0x1B8B  }
0xa2: {  	_ =	swait.ge [sflag:s23], $0x1  }
0xa3: {  	[sflag:s23] =	ssyncset.done $0x0  }
0xa4: {  	s25 =	simm.s32 $0x1B8E;
	s24 =	sld [smem:$0x3FFE];
	[sflag:s23] =	ssyncadd.s32 $0xFFFFFFFF  }
0xa5: {  	s26 =	simm.s32 $execute0_lowered;
	[smem:$0x3FD2] =	sst s25  }
0xa6: {  	s4 =	sshll.u32 s26, $0x1;
	_ =	strace $0x8000004C;
	[dreg:$0x1] =	wrdreg $0xFFFFFFFF  }
0xa7: {  	s28 =	simm.s32 $_size_execute0_lowered;
	s2 =	sadd.s32 s2, s4;
	[dreg:$0x0] =	wrdreg $0x0  }
0xa8: {  	s4 =	sshll.u32 s28, $0x1;
	[dreg:$0x2] =	wrdreg s2  }
0xa9: {  	[dreg:$0x3] =	wrdreg s4  }
0xaa: {  	[dreg:$0x4] =	wrdreg $0xC0  }
0xab: {  	_ =	task [dreg:s6], $0x5FFFF  }
0xac: {  	[dreg:$0x1] =	wrdreg $0xFFFFFFFF  }
0xad: {  	[dreg:$0x0] =	wrdreg $0x60  }
0xae: {  	[dreg:$0x2] =	wrdreg s24  }
0xaf: {  	[dreg:$0x3] =	wrdreg $0x156000  }
0xb0: {  	[dreg:$0x4] =	wrdreg $0xB8000  }
0xb1: {  	[dreg:$0x5] =	wrdreg $0x9  }
0xb2: {  	_ =	task.clear_ibuf [dreg:s6], $0x6FFFF;
	_ =	strace $0x9000004C  }
0xb3: {  	s29 =	simm.s32 $0x9;
	_ =	strace $0x8000004E  }
0xb4: {  	_ =	swait.ge [sflag:s29], $0x1  }
0xb5: {  	[sflag:s29] =	ssyncadd.s32 $0xFFFFFFFF  }
0xb6: {  	_ =	strace $0x9000004E  }
0xb7: {  	_ =	sfence  }
0xb8: {  	s30 =	sld [smem:$0x0];
	_ =	sdelay $0x2  }
0xb9: {  	s31 =	sshll.u32 s1, $0xD;
	s1 =	sshrl.u32 s1, $0x2  }
0xba: {  	s3 =	sand.u32 $0x4000, s31;
	s1 =	sadd.s32 s1, s30  }
0xbb: {  	s0 =	sor.u32 s3, s0;
	s1 =	sshll.u32 s1, $0x11  }
0xbc: {  	s0 =	sor.u32 s1, s0  }
0xbd: {  	s0 =	sadd.s32 $0x8F2B, s0  }
0xbe: {  	[sflag:s0] =	ssyncadd.remote.s32 $0x1  }
0xbf: {  	_ =	sfence.sel $0xFFFF  }
0xc0: {  	[dreg:$0x0] =	wrdreg $0xFFFFFFFF;
	(pc) =	sbr.abs _section_cstart, $3  }
0xc1: {  	[dreg:$0x1] =	wrdreg $0xFFFFFFFF  }
0xc2: {  	_ =	task.clear_ibuf [dreg:s6], $0x2FFFF;
	_ =	strace $0x9FFFFFFF  }
0xc3: {  	(tm) =	ssettm $0x7FFFFFFF  }
tec
execute0_lowered:
.L_overlay_start_1:
0x0: {  	(tag) =	ssettag $0x1  }
0x1: {  	s6 =	rddreg [dreg:$0x0]  }
0x2: {  	s1 =	rddreg [dreg:$0x1];
	s0 =	stileid.u32  }
0x3: {  	s2 =	srdreg.scid;
	s3 =	rddreg [dreg:$0x2];
	s4 =	simm.s32 $0x0  }
0x4: {  	s13 =	simm.s32 $0x5000;
	s17 =	simm.s32 $0x80;
	s18 =	simm.s32 $0x7800  }
0x5: {  	s19 =	simm.s32 $0x9800;
	s20 =	simm.s32 $0x1;
	s21 =	simm.s32 $0x2  }
0x6: {  	s22 =	simm.s32 $0x4F80;
	s23 =	simm.s32 $0x7700;
	s24 =	simm.s32 $0x7780  }
0x7: {  	s5 =	smul.u32 $0x5000, s0;
	s7 =	sand.u32 $0x1, s2;
	s2 =	rddreg [dreg:$0x3]  }
0x8: {  	s25 =	simm.s32 $0x0;
	s8 =	smul.u32 $0x9E00, s0;
	[smem:$0x7FF] =	sst s4  }
0x9: {  	s14 =	sshll.u32 s0, $0x6;
	s9 =	smul.u32 $0x9E000, s7;
	_ =	strace $0x8000004D  }
0xa: {  	s7 =	ssub.s32 $0x2, s7;
	s14 =	sor.u32 $0x1C03, s14;
	s5 =	sshrl.u32 s5, $0x3  }
0xb: {  	s31 =	sshrl.u32 s7, $0x1;
	s15 =	sadd.s32 s8, s1;
	s16 =	sadd.s32 s8, s3  }
0xc: {  	s9 =	sadd.s32 s8, s9;
	s10 =	sadd.s32 s5, s6;
	s5 =	sadd.s32 $0x8E000, s6  }
0xd: {  	s12 =	ssub.s32 s7, s31;
	s15 =	sshrl.u32 s15, $0x3;
	s9 =	sshrl.u32 s9, $0x3  }
0xe: {  	s16 =	sshrl.u32 s16, $0x3;
	s7 =	sadd.s32 $0x3400, s10;
	s11 =	sadd.s32 s9, s6  }
0xf: {  	s6 =	sadd.s32 $0xD800, s10;
	s9 =	sadd.s32 $0x3900, s10;
	s8 =	sadd.s32 $0x66800, s11  }
0x10: {  	s10 =	sadd.s32 $0x8F400, s11;
	s11 =	smax.u32 s12, $0x1;
	s12 =	simm.s32 $0x3  }
.LBB2_1:
0x11: {  	[tilespmem:s4], [sflag:$0x3] =	stream.linear.gather [hbm4b:s6+s4], $0x5000, $0x38;
	[tilespmem:$0x1F400] =	vst v63  }
0x12: {  	_ =	swait.ge [sflag:s12], $0x5000  }
0x13: {  	[sflag:s12] =	ssyncset.done $0x0  }
0x14: {  	[sflag:s12] =	ssyncadd.s32 $0xFFFFB000  }
0x15: {  	[tilespmem:s13], [sflag:$0x3] =	stream.linear.gather [hbm4b:s7+s4], $0x2800, $0x38;
	[tilespmem:$0x1F400] =	vst v63  }
0x16: {  	_ =	swait.ge [sflag:s12], $0x2800  }
0x17: {  	[sflag:s12] =	ssyncset.done $0x0  }
0x18: {  	[sflag:s12] =	ssyncadd.s32 $0xFFFFD800  }
0x19: {  	[spmem:s15], [sflag:s14] =	dma.local [hbm:s5], $0x13C0  }
0x1a: {  	_ =	swait.ge [sflag:s12], $0x13C0  }
0x1b: {  	[sflag:s12] =	ssyncset.done $0x0  }
0x1c: {  	[sflag:s12] =	ssyncadd.s32 $0xFFFFEC40  }
0x1d: {  	[spmem:s16], [sflag:s14] =	dma.local [hbm:s8], $0x13C0  }
0x1e: {  	_ =	swait.ge [sflag:s12], $0x13C0  }
0x1f: {  	[sflag:s12] =	ssyncset.done $0x0  }
0x20: {  	[sflag:s12] =	ssyncadd.s32 $0xFFFFEC40  }
0x21: {  	[bflag:$0x0] =	sbarrier.arrive $0xFFFF  }
0x22: {  	[tilespmem:s18], [sflag:$0x1] =	stream.indirect.gather [spmem:s3], $0x40, s4, s17, $0xb8;
	[tilespmem:$0x1F400] =	vst v63  }
0x23: {  	s26 =	simm.s32 $0x80  }
0x24: {  	[tilespmem:s19], [sflag:$0x2] =	stream.indirect.gather [spmem:s3], $0x40, s26, s17, $0xb8;
	[tilespmem:$0x1F400] =	vst v63  }
0x25: {  	_ =	swait.ge [sflag:s20], $0x2000  }
0x26: {  	[sflag:s20] =	ssyncset.done $0x0  }
0x27: {  	s29 =	simm.s32 $0x5000;
	[sflag:s20] =	ssyncadd.s32 $0xFFFFE000  }
0x28: {  	[spmem:s1] =	stream.indirect.scatter.add.f32 [tilespmem:s18], [sflag:$0x3], $0x40, s29, s17, $0xb8;
	[tilespmem:$0x1F400] =	vst v63  }
0x29: {  	_ =	swait.ge [sflag:s12], $0x2000  }
0x2a: {  	[sflag:s12] =	ssyncset.done $0x0  }
0x2b: {  	s30 =	simm.s32 $0x100;
	[sflag:s12] =	ssyncadd.s32 $0xFFFFE000  }
0x2c: {  	[tilespmem:s18], [sflag:$0x1] =	stream.indirect.gather [spmem:s3], $0x40, s30, s17, $0xb8;
	[tilespmem:$0x1F400] =	vst v63  }
0x2d: {  	_ =	swait.ge [sflag:s21], $0x2000  }
0x2e: {  	[sflag:s21] =	ssyncset.done $0x0  }
0x2f: {  	s31 =	simm.s32 $0x5080;
	[sflag:s21] =	ssyncadd.s32 $0xFFFFE000  }
0x30: {  	[spmem:s1] =	stream.indirect.scatter.add.f32 [tilespmem:s19], [sflag:$0x3], $0x40, s31, s17, $0xb8;
	[tilespmem:$0x1F400] =	vst v63  }
0x31: {  	_ =	swait.ge [sflag:s12], $0x2000  }
0x32: {  	s28 =	simm.s32 $0x800;
	s26 =	simm.s32 $0x100;
	[sflag:s12] =	ssyncset.done $0x0  }
.LBB2_2:
0x33: {  	s29 =	sadd.s32 $0x80, s26  }
0x34: {  	[sflag:s12] =	ssyncadd.s32 $0xFFFFE000;
	s30 =	smov.u32 s28;
	s31 =	sadd.s32 $0x400, s28  }
0x35: {  	[tilespmem:s19], [sflag:$0x2] =	stream.indirect.gather [spmem:s3], $0x40, s29, s17, $0xb8;
	[tilespmem:$0x1F400] =	vst v63  }
0x36: {  	p0 =	sne.s32 s28, $0x9C00;
	_ =	swait.ge [sflag:s20], $0x2000  }
0x37: {  	[sflag:s20] =	ssyncset.done $0x0  }
0x38: {  	s28 =	sadd.s32 $0x5000, s26;
	[sflag:s20] =	ssyncadd.s32 $0xFFFFE000  }
0x39: {  	[spmem:s1] =	stream.indirect.scatter.add.f32 [tilespmem:s18], [sflag:$0x3], $0x40, s28, s17, $0xb8;
	[tilespmem:$0x1F400] =	vst v63  }
0x3a: {  	_ =	swait.ge [sflag:s12], $0x2000  }
0x3b: {  	[sflag:s12] =	ssyncset.done $0x0  }
0x3c: {  	s28 =	sadd.s32 $0x100, s26;
	[sflag:s12] =	ssyncadd.s32 $0xFFFFE000  }
0x3d: {  	[tilespmem:s18], [sflag:$0x1] =	stream.indirect.gather [spmem:s3], $0x40, s28, s17, $0xb8;
	[tilespmem:$0x1F400] =	vst v63  }
0x3e: {  	_ =	swait.ge [sflag:s21], $0x2000  }
.Ltmp0:
0x3f: {  	[sflag:s21] =	ssyncset.done $0x0;
	(pc) =	sbr.rel @p0 .LBB2_2-.Ltmp0, $4  }
0x40: {  	s26 =	sadd.s32 $0x5080, s26;
	[sflag:s21] =	ssyncadd.s32 $0xFFFFE000  }
0x41: {  	[spmem:s1] =	stream.indirect.scatter.add.f32 [tilespmem:s19], [sflag:$0x3], $0x40, s26, s17, $0xb8;
	[tilespmem:$0x1F400] =	vst v63  }
0x42: {  	_ =	swait.ge [sflag:s12], $0x2000  }
0x43: {  	s28 =	smov.u32 s31;
	s26 =	sshra.s32 s30, $0x2;
	[sflag:s12] =	ssyncset.done $0x0  }
0x44: {  	s28 =	sadd.s32 $0x80, s26;
	[sflag:s12] =	ssyncadd.s32 $0xFFFFE000  }
0x45: {  	[tilespmem:s19], [sflag:$0x2] =	stream.indirect.gather [spmem:s3], $0x40, s28, s17, $0xb8;
	[tilespmem:$0x1F400] =	vst v63  }
0x46: {  	_ =	swait.ge [sflag:s20], $0x2000  }
0x47: {  	[sflag:s20] =	ssyncset.done $0x0  }
0x48: {  	s28 =	sadd.s32 $0x5000, s26;
	[sflag:s20] =	ssyncadd.s32 $0xFFFFE000  }
0x49: {  	[spmem:s1] =	stream.indirect.scatter.add.f32 [tilespmem:s18], [sflag:$0x3], $0x40, s28, s17, $0xb8;
	[tilespmem:$0x1F400] =	vst v63  }
0x4a: {  	_ =	swait.ge [sflag:s12], $0x2000  }
0x4b: {  	[sflag:s12] =	ssyncset.done $0x0  }
0x4c: {  	s28 =	sadd.s32 $0x100, s26;
	[sflag:s12] =	ssyncadd.s32 $0xFFFFE000  }
0x4d: {  	[tilespmem:s18], [sflag:$0x1] =	stream.indirect.gather [spmem:s3], $0x40, s28, s17, $0xb8;
	[tilespmem:$0x1F400] =	vst v63  }
0x4e: {  	_ =	swait.ge [sflag:s21], $0x2000  }
0x4f: {  	[sflag:s21] =	ssyncset.done $0x0  }
0x50: {  	s29 =	sadd.s32 $0x5080, s26;
	[sflag:s21] =	ssyncadd.s32 $0xFFFFE000  }
0x51: {  	[spmem:s1] =	stream.indirect.scatter.add.f32 [tilespmem:s19], [sflag:$0x3], $0x40, s29, s17, $0xb8;
	[tilespmem:$0x1F400] =	vst v63  }
0x52: {  	_ =	swait.ge [sflag:s12], $0x2000  }
0x53: {  	[sflag:s12] =	ssyncset.done $0x0  }
0x54: {  	s30 =	simm.s32 $0x0;
	[sflag:s12] =	ssyncadd.s32 $0xFFFFE000  }
0x55: {  	[tilespmem:s13], [sflag:$0x3] =	stream.linear.gather [hbm4b:s9+s30], $0x2800, $0x38;
	[tilespmem:$0x1F400] =	vst v63  }
0x56: {  	_ =	swait.ge [sflag:s12], $0x2800  }
0x57: {  	[sflag:s12] =	ssyncset.done $0x0  }
0x58: {  	s31 =	simm.s32 $0x2880;
	[sflag:s12] =	ssyncadd.s32 $0xFFFFD800  }
0x59: {  	[tilespmem:s19], [sflag:$0x2] =	stream.indirect.gather [spmem:s3], $0x40, s31, s17, $0xb8;
	[tilespmem:$0x1F400] =	vst v63  }
0x5a: {  	_ =	swait.ge [sflag:s20], $0x2000  }
0x5b: {  	[sflag:s20] =	ssyncset.done $0x0  }
0x5c: {  	s29 =	simm.s32 $0x5000;
	[sflag:s20] =	ssyncadd.s32 $0xFFFFE000  }
0x5d: {  	[spmem:s1] =	stream.indirect.scatter.add.f32 [tilespmem:s18], [sflag:$0x3], $0x40, s29, s17, $0xb8;
	[tilespmem:$0x1F400] =	vst v63  }
0x5e: {  	_ =	swait.ge [sflag:s12], $0x2000  }
0x5f: {  	[sflag:s12] =	ssyncset.done $0x0  }
0x60: {  	s30 =	simm.s32 $0x2900;
	[sflag:s12] =	ssyncadd.s32 $0xFFFFE000  }
0x61: {  	[tilespmem:s18], [sflag:$0x1] =	stream.indirect.gather [spmem:s3], $0x40, s30, s17, $0xb8;
	[tilespmem:$0x1F400] =	vst v63  }
0x62: {  	_ =	swait.ge [sflag:s21], $0x2000  }
0x63: {  	[sflag:s21] =	ssyncset.done $0x0  }
0x64: {  	s31 =	simm.s32 $0x5080;
	[sflag:s21] =	ssyncadd.s32 $0xFFFFE000  }
0x65: {  	[spmem:s1] =	stream.indirect.scatter.add.f32 [tilespmem:s19], [sflag:$0x3], $0x40, s31, s17, $0xb8;
	[tilespmem:$0x1F400] =	vst v63  }
0x66: {  	_ =	swait.ge [sflag:s12], $0x2000  }
0x67: {  	s26 =	simm.s32 $0x100;
	s28 =	simm.s32 $0x800;
	[sflag:s12] =	ssyncset.done $0x0  }
.LBB2_4:
0x68: {  	s29 =	sadd.s32 $0x2880, s26  }
0x69: {  	[sflag:s12] =	ssyncadd.s32 $0xFFFFE000;
	s30 =	smov.u32 s28;
	s31 =	sadd.s32 $0x400, s28  }
0x6a: {  	[tilespmem:s19], [sflag:$0x2] =	stream.indirect.gather [spmem:s3], $0x40, s29, s17, $0xb8;
	[tilespmem:$0x1F400] =	vst v63  }
0x6b: {  	p0 =	sne.s32 s28, $0x9800;
	_ =	swait.ge [sflag:s20], $0x2000  }
0x6c: {  	[sflag:s20] =	ssyncset.done $0x0  }
0x6d: {  	s28 =	sadd.s32 $0x5000, s26;
	[sflag:s20] =	ssyncadd.s32 $0xFFFFE000  }
0x6e: {  	[spmem:s1] =	stream.indirect.scatter.add.f32 [tilespmem:s18], [sflag:$0x3], $0x40, s28, s17, $0xb8;
	[tilespmem:$0x1F400] =	vst v63  }
0x6f: {  	_ =	swait.ge [sflag:s12], $0x2000  }
0x70: {  	[sflag:s12] =	ssyncset.done $0x0  }
0x71: {  	s28 =	sadd.s32 $0x2900, s26;
	[sflag:s12] =	ssyncadd.s32 $0xFFFFE000  }
0x72: {  	[tilespmem:s18], [sflag:$0x1] =	stream.indirect.gather [spmem:s3], $0x40, s28, s17, $0xb8;
	[tilespmem:$0x1F400] =	vst v63  }
0x73: {  	_ =	swait.ge [sflag:s21], $0x2000  }
.Ltmp1:
0x74: {  	[sflag:s21] =	ssyncset.done $0x0;
	(pc) =	sbr.rel @p0 .LBB2_4-.Ltmp1, $4  }
0x75: {  	s26 =	sadd.s32 $0x5080, s26;
	[sflag:s21] =	ssyncadd.s32 $0xFFFFE000  }
0x76: {  	[spmem:s1] =	stream.indirect.scatter.add.f32 [tilespmem:s19], [sflag:$0x3], $0x40, s26, s17, $0xb8;
	[tilespmem:$0x1F400] =	vst v63  }
0x77: {  	_ =	swait.ge [sflag:s12], $0x2000  }
0x78: {  	s28 =	smov.u32 s31;
	s26 =	sshra.s32 s30, $0x2;
	[sflag:s12] =	ssyncset.done $0x0  }
0x79: {  	s28 =	sadd.s32 $0x2880, s26;
	[sflag:s12] =	ssyncadd.s32 $0xFFFFE000  }
0x7a: {  	[tilespmem:s19], [sflag:$0x2] =	stream.indirect.gather [spmem:s3], $0x40, s28, s17, $0xb8;
	[tilespmem:$0x1F400] =	vst v63  }
0x7b: {  	_ =	swait.ge [sflag:s20], $0x2000  }
0x7c: {  	[sflag:s20] =	ssyncset.done $0x0  }
0x7d: {  	s29 =	sadd.s32 $0x5000, s26;
	[sflag:s20] =	ssyncadd.s32 $0xFFFFE000  }
0x7e: {  	[spmem:s1] =	stream.indirect.scatter.add.f32 [tilespmem:s18], [sflag:$0x3], $0x40, s29, s17, $0xb8;
	[tilespmem:$0x1F400] =	vst v63  }
0x7f: {  	_ =	swait.ge [sflag:s12], $0x2000  }
0x80: {  	[sflag:s12] =	ssyncset.done $0x0  }
0x81: {  	s30 =	sadd.s32 $0x2900, s26;
	[sflag:s12] =	ssyncadd.s32 $0xFFFFE000  }
0x82: {  	[tilespmem:s18], [sflag:$0x1] =	stream.indirect.gather [spmem:s3], $0x40, s30, s17, $0xb8;
	[tilespmem:$0x1F400] =	vst v63  }
0x83: {  	_ =	swait.ge [sflag:s21], $0x2000  }
0x84: {  	[sflag:s21] =	ssyncset.done $0x0  }
0x85: {  	s31 =	sadd.s32 $0x5080, s26;
	[sflag:s21] =	ssyncadd.s32 $0xFFFFE000  }
0x86: {  	[spmem:s1] =	stream.indirect.scatter.add.f32 [tilespmem:s19], [sflag:$0x3], $0x40, s31, s17, $0xb8;
	[tilespmem:$0x1F400] =	vst v63  }
0x87: {  	_ =	swait.ge [sflag:s12], $0x2000  }
0x88: {  	[sflag:s12] =	ssyncset.done $0x0  }
0x89: {  	[sflag:s12] =	ssyncadd.s32 $0xFFFFE000  }
0x8a: {  	[tilespmem:s19], [sflag:$0x2] =	stream.indirect.gather [spmem:s3], $0x40, s22, s17, $0xb8;
	[tilespmem:$0x1F400] =	vst v63  }
0x8b: {  	_ =	swait.ge [sflag:s20], $0x2000  }
0x8c: {  	[sflag:s20] =	ssyncset.done $0x0  }
0x8d: {  	[sflag:s20] =	ssyncadd.s32 $0xFFFFE000  }
0x8e: {  	[spmem:s1] =	stream.indirect.scatter.add.f32 [tilespmem:s18], [sflag:$0x3], $0x40, s23, s17, $0xb8;
	[tilespmem:$0x1F400] =	vst v63  }
0x8f: {  	_ =	swait.ge [sflag:s12], $0x2000  }
0x90: {  	[sflag:s12] =	ssyncset.done $0x0  }
0x91: {  	[sflag:s12] =	ssyncadd.s32 $0xFFFFE000  }
0x92: {  	_ =	swait.ge [sflag:s21], $0x2000  }
0x93: {  	[sflag:s21] =	ssyncset.done $0x0  }
0x94: {  	[sflag:s21] =	ssyncadd.s32 $0xFFFFE000  }
0x95: {  	[spmem:s1] =	stream.indirect.scatter.add.f32 [tilespmem:s19], [sflag:$0x3], $0x40, s24, s17, $0xb8;
	[tilespmem:$0x1F400] =	vst v63  }
0x96: {  	_ =	swait.ge [sflag:s12], $0x2000  }
0x97: {  	s25 =	sadd.s32 $0x1, s25;
	[sflag:s12] =	ssyncset.done $0x0  }
0x98: {  	p0 =	sne.s32 s25, s11;
	[sflag:s12] =	ssyncadd.s32 $0xFFFFE000  }
.Ltmp2:
0x99: {  	[bflag:$0x0] =	sbarrier.arrive $0xFFFF;
	(pc) =	sbr.rel @p0 .LBB2_1-.Ltmp2, $4  }
0x9a: {  	[hbm:s10], [sflag:s14] =	dma.local [spmem:s15], $0x13C0  }
0x9b: {  	_ =	swait.ge [sflag:s12], $0x13C0  }
0x9c: {  	[sflag:s12] =	ssyncset.done $0x0  }
0x9d: {  	[sflag:s12] =	ssyncadd.s32 $0xFFFFEC40  }
0x9e: {  	_ =	sfence.sel $0x180000  }
0x9f: {  	[bflag:$0x0] =	sbarrier.arrive $0xFFFF  }
0xa0: {  	p0 =	sne.s32 s0, $0x0;
	_ =	strace $0x9000004D  }
0xa1: {  	s0 =	sadd.s32 @!p0 $0x100000, s2;
	[bflag:$0x2] =	sbarrier.arrive $0xFFFF  }
0xa2: {  	[sflag:s0] =	ssyncadd.tile.s32 @!p0 $0x1;
	_ =	shalt  }
.Lfunc_end2:
_tile_overlayer_lowered:
.L_overlay_start_2:
0xa3: {  	(tag) =	ssettag $0x2  }
0xa4: {  	s0 =	rddreg [dreg:$0x0];
	s2 =	stileid.u32  }
0xa5: {  	s1 =	rddreg [dreg:$0x1];
	p0 =	sne.s32 s2, $0x0  }
0xa6: {  	s3 =	rddreg [dreg:$0x2];
	[bflag:$0x3] =	sbarrier.arrive $0xFFFF;
	s2 =	simm.s32 @!p0 $0x1C03  }
0xa7: {  	[timem:s3], [sflag:s2] =	dma.local @!p0 [hbm:s0], s1  }
0xa8: {  	s0 =	simm.s32 @!p0 $0x3  }
0xa9: {  	_ =	swait.ge @!p0 [sflag:s0], s1  }
0xaa: {  	s1 =	ssub.s32 @!p0 $0x0, s1;
	[sflag:s0] =	ssyncset.done @!p0 $0x0  }
0xab: {  	[sflag:s0] =	ssyncadd.s32 @!p0 s1  }
0xac: {  	[bflag:$0x3] =	sbarrier.arrive $0xFFFF  }
0xad: {  	_ =	shalt  }

// kernel: kernel.8.cloned.1.call-start
scs
__scs_entry_jumppad:
0x0: {  	(pc) =	sbr.rel $0x88, $3  }
0x1: {  	(tag) =	ssettag $0x0;
	lr =	simm.s32 $0x1  }
0x2: {  	[smem:$0x3F97] =	sst lr;
	_ =	strace $0xD0000000  }
0x3: {  	_ = 	snop  }
0x4: {  	_ = 	snop  }
0x5: {  	_ = 	snop  }
0x6: {  	_ = 	snop  }
0x7: {  	_ = 	snop  }
__scs_overlays_trampoline_lowered:
0x8: {  	[smem:$0x3FA6] =	sst s0  }
0x9: {  	[smem:$0x3FA7] =	sst s1  }
0xa: {  	[smem:$0x3FA8] =	sst s2  }
0xb: {  	[smem:$0x3FA9] =	sst s3  }
0xc: {  	[smem:$0x3FAA] =	sst s4  }
0xd: {  	[smem:$0x3FAB] =	sst s5  }
0xe: {  	[smem:$0x3FAC] =	sst s6  }
0xf: {  	[smem:$0x3FAD] =	sst s7  }
0x10: {  	[smem:$0x3FAE] =	sst s8  }
0x11: {  	[smem:$0x3FAF] =	sst s9;
	s0 =	simm.s32 @!p0 $0x0  }
0x12: {  	s1 =	sld [smem:$0x3F95];
	s0 =	simm.s32 @p0 $0x1  }
0x13: {  	[smem:$0x3FB0] =	sst s0;
	s0 =	simm.s32 @!p1 $0x0  }
0x14: {  	s2 =	sld [smem:$0x3F94];
	s0 =	simm.s32 @p1 $0x1  }
0x15: {  	[smem:$0x3FB1] =	sst s0;
	s0 =	simm.s32 @!p2 $0x0  }
0x16: {  	s3 =	sld [smem:$0x3FDB];
	s0 =	simm.s32 @p2 $0x1  }
0x17: {  	s4 =	simm.s32 $0x1BF5;
	[smem:$0x3FB3] =	sst s0  }
0x18: {  	s0 =	sld [smem:$0x3F96];
	_ =	swait.ge [sflag:s4], $0x0  }
0x19: {  	s7 =	sld [smem:$0x3F97]  }
0x1a: {  	s8 =	sadd.s32 $0xFFFFE003, lr  }
0x1b: {  	s9 =	sadd.s32 $0xFFFFFEF7, lr;
	s5 =	simm.s32 $0xFFFFFFFF;
	p2 =	slt.u32 s8, $0xFFFFF086  }
0x1c: {  	p1 =	slt.u32 s9, $0xF7A;
	s5 =	simm.s32 @!p2 $0x0  }
0x1d: {  	s5 =	simm.s32 @p1 $0x1;
	p0 =	seq.s32 s7, s2  }
0x1e: {  	s7 =	smul.u32 @!p0 $0xF7A, s2;
	p2 =	seq.s32 @!p0 s5, $0x0  }
0x1f: {  	s9 =	smul.u32 $0xF7A, s1;
	s8 =	simm.s32 @!p0 $0x1BF5;
	p2 =	por !p2, p0  }
0x20: {  	[sflag:s8] =	ssyncset.s32 @!p0 $0xFFFFF086;
	s6 =	sadd.s32 @!p0 s3, s7;
	s7 =	simm.s32 @!p0 $0x108  }
0x21: {  	s3 =	sadd.s32 s3, s9;
	s6 =	sadd.s32 @!p0 $0x88, s6;
	s7 =	simm.s32 @p2 $0x1082  }
0x22: {  	[simem:s7], [sflag:s8] =	dma.local @!p0 [hbm:s6], $0xF7A  }
0x23: {  	s9 =	sor.u32 $0xD0000000, s2;
	s6 =	simm.s32 $0x108;
	_ =	swait.ge @!p0 [sflag:s8], $0x0  }
0x24: {  	s3 =	sadd.s32 $0x88, s3;
	s6 =	simm.s32 @!p1 $0x1082;
	[sflag:s4] =	ssyncset.s32 $0xFFFFF086  }
0x25: {  	[simem:s6], [sflag:s4] =	dma.local [hbm:s3], $0xF7A  }
0x26: {  	[smem:$0x3F97] =	sst s1;
	(tag) =	ssettag s2;
	_ =	strace s9  }
0x27: {  	s1 =	sld [smem:$0x3FA7]  }
0x28: {  	s2 =	sld [smem:$0x3FA8]  }
0x29: {  	s4 =	sld [smem:$0x3FAA]  }
0x2a: {  	p0 =	seq.s32 s5, $0x0;
	s5 =	sld [smem:$0x3FAB]  }
0x2b: {  	s6 =	sld [smem:$0x3FAC]  }
0x2c: {  	s7 =	sld [smem:$0x3FAD]  }
0x2d: {  	s3 =	simm.s32 $0x108;
	s8 =	sld [smem:$0x3FAE]  }
0x2e: {  	s3 =	simm.s32 @!p0 $0x1082;
	s9 =	sld [smem:$0x3FAF]  }
0x2f: {  	lr =	sadd.s32 s0, s3;
	s0 =	sld [smem:$0x3FA6]  }
0x30: {  	s3 =	sld [smem:$0x3FA9]  }
0x31: {  	[smem:$0x3FB2] =	sst s10  }
0x32: {  	s10 =	sld [smem:$0x3FB0];
	_ =	sdelay $0x3  }
0x33: {  	p0 =	seq.s32 s10, $0x1;
	s10 =	sld [smem:$0x3FB2];
	_ =	sdelay $0x3  }
0x34: {  	[smem:$0x3FB2] =	sst s10  }
0x35: {  	s10 =	sld [smem:$0x3FB1];
	_ =	sdelay $0x3  }
0x36: {  	p1 =	seq.s32 s10, $0x1;
	s10 =	sld [smem:$0x3FB2];
	_ =	sdelay $0x3  }
0x37: {  	[smem:$0x3FB2] =	sst s10  }
0x38: {  	s10 =	sld [smem:$0x3FB3]  }
0x39: {  	_ = 	snop;
	(pc) =	sbr.ind lr, $3  }
0x3a: {  	_ = 	snop  }
0x3b: {  	_ = 	snop  }
0x3c: {  	p2 =	seq.s32 s10, $0x1;
	s10 =	sld [smem:$0x3FB2]  }
0x3d: {  	_ =	shalt  }
0x3e: {  	_ =	shalt  }
0x3f: {  	_ =	shalt  }
0x40: {  	_ =	shalt  }
0x41: {  	_ =	shalt  }
0x42: {  	_ =	shalt  }
0x43: {  	_ =	shalt  }
0x44: {  	_ =	shalt  }
0x45: {  	_ =	shalt  }
0x46: {  	_ =	shalt  }
0x47: {  	_ =	shalt  }
0x48: {  	_ =	shalt  }
0x49: {  	_ =	shalt  }
0x4a: {  	_ =	shalt  }
0x4b: {  	_ =	shalt  }
0x4c: {  	_ =	shalt  }
0x4d: {  	_ =	shalt  }
0x4e: {  	_ =	shalt  }
0x4f: {  	_ =	shalt  }
0x50: {  	_ =	shalt  }
0x51: {  	_ =	shalt  }
0x52: {  	_ =	shalt  }
0x53: {  	_ =	shalt  }
0x54: {  	_ =	shalt  }
0x55: {  	_ =	shalt  }
0x56: {  	_ =	shalt  }
0x57: {  	_ =	shalt  }
0x58: {  	_ =	shalt  }
0x59: {  	_ =	shalt  }
0x5a: {  	_ =	shalt  }
0x5b: {  	_ =	shalt  }
0x5c: {  	_ =	shalt  }
0x5d: {  	_ =	shalt  }
0x5e: {  	_ =	shalt  }
0x5f: {  	_ =	shalt  }
0x60: {  	_ =	shalt  }
0x61: {  	_ =	shalt  }
0x62: {  	_ =	shalt  }
0x63: {  	_ =	shalt  }
0x64: {  	_ =	shalt  }
0x65: {  	_ =	shalt  }
0x66: {  	_ =	shalt  }
0x67: {  	_ =	shalt  }
0x68: {  	_ =	shalt  }
0x69: {  	_ =	shalt  }
0x6a: {  	_ =	shalt  }
0x6b: {  	_ =	shalt  }
0x6c: {  	_ =	shalt  }
0x6d: {  	_ =	shalt  }
0x6e: {  	_ =	shalt  }
0x6f: {  	_ =	shalt  }
0x70: {  	_ =	shalt  }
0x71: {  	_ =	shalt  }
0x72: {  	_ =	shalt  }
0x73: {  	_ =	shalt  }
0x74: {  	_ =	shalt  }
0x75: {  	_ =	shalt  }
0x76: {  	_ =	shalt  }
0x77: {  	_ =	shalt  }
0x78: {  	_ =	shalt  }
0x79: {  	_ =	shalt  }
0x7a: {  	_ =	shalt  }
0x7b: {  	_ =	shalt  }
0x7c: {  	_ =	shalt  }
0x7d: {  	_ =	shalt  }
0x7e: {  	_ =	shalt  }
0x7f: {  	_ =	shalt  }
0x80: {  	_ =	shalt  }
0x81: {  	_ =	shalt  }
0x82: {  	_ =	shalt  }
0x83: {  	_ =	shalt  }
0x84: {  	_ =	shalt  }
0x85: {  	_ =	shalt  }
0x86: {  	_ =	shalt  }
0x87: {  	_ =	shalt  }
.Lfunc_end0:
.L_simem_size_0:
called_computation_lowered:
.L_overlay_start_0:
0x88: {  	s2 =	sld [smem:$0x3FD9]  }
0x89: {  	s3 =	sld [smem:$0x3FFE];
	_ =	sdelay $0x1  }
0x8a: {  	s1 =	srdreg.scid  }
0x8b: {  	s0 =	sand.u32 $0x1, s1  }
0x8c: {  	s17 =	sshll.u32 s0, $0xA;
	s2 =	sadd.s32 s3, s2  }
0x8d: {  	s2 =	sadd.s32 s2, s17  }
0x8e: {  	[smem:$0x3FBE] =	sst s2  }
0x8f: {  	_ = 	snop  }
0x90: {  	s2 =	sld [smem:$0x3FD0];
	(tm) =	ssettm $0x1  }
0x91: {  	s18 =	sld [smem:$0x3FFB];
	_ =	sdelay $0x3  }
0x92: {  	_ =	strace s18  }
0x93: {  	s3 =	sld [smem:$0x3FFC];
	_ =	sdelay $0x3  }
0x94: {  	_ =	strace s3  }
0x95: {  	s3 =	sld [smem:$0x3FFD];
	_ =	sdelay $0x3  }
0x96: {  	_ =	strace s3  }
0x97: {  	_ =	strace $0x8FFFFFFF  }
0x98: {  	s19 =	sld [smem:$0x3FDB];
	_ =	sdelay $0x1  }
0x99: {  	s4 =	simm.s32 $_scs_section_size  }
0x9a: {  	s5 =	simm.s32 $_size__tile_overlayer_lowered;
	s6 =	simm.s32 $_tile_overlayer_lowered  }
0x9b: {  	s22 =	simm.s32 $0x1BFF;
	s21 =	sshll.u32 s6, $0x1;
	s3 =	sadd.s32 s4, s19  }
0x9c: {  	s7 =	simm.s32 $0x0;
	s20 =	sshll.u32 s5, $0x1;
	s5 =	sadd.s32 s21, s3  }
0x9d: {  	[timem:s7], [sflag:s22] =	dma.local [hbm:s5], s20  }
0x9e: {  	_ =	swait.ge [sflag:s22], s20  }
0x9f: {  	s4 =	ssub.s32 $0x0, s20;
	[sflag:s22] =	ssyncset.done $0x0  }
0xa0: {  	[sflag:s22] =	ssyncadd.s32 s4;
	_ =	sdelay $0x1  }
0xa1: {  	s23 =	simm.s32 $0x1B8B  }
0xa2: {  	_ =	swait.ge [sflag:s23], $0x1  }
0xa3: {  	[sflag:s23] =	ssyncset.done $0x0  }
0xa4: {  	s25 =	simm.s32 $0x1B8E;
	s24 =	sld [smem:$0x3FFE];
	[sflag:s23] =	ssyncadd.s32 $0xFFFFFFFF  }
0xa5: {  	s26 =	simm.s32 $execute0_lowered;
	[smem:$0x3FD2] =	sst s25  }
0xa6: {  	s5 =	sshll.u32 s26, $0x1;
	_ =	strace $0x80000046;
	[dreg:$0x1] =	wrdreg $0xFFFFFFFF  }
0xa7: {  	s28 =	simm.s32 $_size_execute0_lowered;
	s3 =	sadd.s32 s3, s5;
	[dreg:$0x0] =	wrdreg $0x0  }
0xa8: {  	s5 =	sshll.u32 s28, $0x1;
	[dreg:$0x2] =	wrdreg s3  }
0xa9: {  	[dreg:$0x3] =	wrdreg s5  }
0xaa: {  	[dreg:$0x4] =	wrdreg $0xC0  }
0xab: {  	_ =	task [dreg:s7], $0x5FFFF  }
0xac: {  	[dreg:$0x1] =	wrdreg $0xFFFFFFFF  }
0xad: {  	[dreg:$0x0] =	wrdreg $0x60  }
0xae: {  	[dreg:$0x2] =	wrdreg s24  }
0xaf: {  	[dreg:$0x3] =	wrdreg s2  }
0xb0: {  	[dreg:$0x4] =	wrdreg $0x28800  }
0xb1: {  	[dreg:$0x5] =	wrdreg $0x9  }
0xb2: {  	_ =	task.clear_ibuf [dreg:s7], $0x6FFFF;
	_ =	strace $0x90000046  }
0xb3: {  	s29 =	simm.s32 $0x9;
	_ =	strace $0x80000048  }
0xb4: {  	_ =	swait.ge [sflag:s29], $0x1  }
0xb5: {  	[sflag:s29] =	ssyncadd.s32 $0xFFFFFFFF  }
0xb6: {  	_ =	strace $0x90000048  }
0xb7: {  	_ =	sfence  }
0xb8: {  	s30 =	sld [smem:$0x0];
	_ =	sdelay $0x2  }
0xb9: {  	s31 =	sshll.u32 s1, $0xD;
	s1 =	sshrl.u32 s1, $0x2  }
0xba: {  	s3 =	sand.u32 $0x4000, s31;
	s1 =	sadd.s32 s1, s30  }
0xbb: {  	s0 =	sor.u32 s3, s0;
	s1 =	sshll.u32 s1, $0x11  }
0xbc: {  	s0 =	sor.u32 s1, s0  }
0xbd: {  	s0 =	sadd.s32 $0x8F2B, s0  }
0xbe: {  	[sflag:s0] =	ssyncadd.remote.s32 $0x1  }
0xbf: {  	_ =	sfence.sel $0xFFFF  }
0xc0: {  	[dreg:$0x0] =	wrdreg $0xFFFFFFFF;
	(pc) =	sbr.abs _section_cstart, $3  }
0xc1: {  	[dreg:$0x1] =	wrdreg $0xFFFFFFFF  }
0xc2: {  	_ =	task.clear_ibuf [dreg:s7], $0x2FFFF;
	_ =	strace $0x9FFFFFFF  }
0xc3: {  	(tm) =	ssettm $0x7FFFFFFF  }
tec
execute0_lowered:
.L_overlay_start_1:
0x0: {  	(tag) =	ssettag $0x1  }
0x1: {  	s5 =	rddreg [dreg:$0x0]  }
0x2: {  	s7 =	rddreg [dreg:$0x1]  }
0x3: {  	s0 =	srdreg.scid;
	s2 =	rddreg [dreg:$0x2];
	s3 =	simm.s32 $0x0  }
0x4: {  	s13 =	simm.s32 $0x80;
	s14 =	simm.s32 $0x20;
	s15 =	simm.s32 $0x10  }
0x5: {  	s16 =	simm.s32 $0x0;
	s6 =	sand.u32 $0x1, s0;
	s0 =	stileid.u32  }
0x6: {  	[smem:$0x7FF] =	sst s3;
	s1 =	sshll.u32 s6, $0x4;
	s10 =	smul.u32 $0x500, s0  }
0x7: {  	s9 =	ssub.s32 $0x2, s6;
	s12 =	smul.u32 $0xA00, s0;
	s6 =	sshll.u32 s6, $0x7  }
0x8: {  	s31 =	sshll.u32 s0, $0x6;
	s4 =	sor.u32 s0, s1;
	s1 =	rddreg [dreg:$0x3]  }
0x9: {  	_ =	strace $0x80000047;
	s11 =	sshrl.u32 s9, $0x1;
	s4 =	smul.u32 $0x500, s4  }
0xa: {  	s9 =	ssub.s32 s9, s11;
	s10 =	sor.u32 s6, s10;
	s30 =	sshrl.u32 s12, $0x2  }
0xb: {  	s11 =	sor.u32 $0x1C01, s31;
	s10 =	sshrl.u32 s10, $0x3;
	s12 =	sadd.s32 s30, s2  }
0xc: {  	s8 =	sadd.s32 s4, s5;
	s4 =	sadd.s32 $0xD600, s5;
	s5 =	sadd.s32 $0xD400, s5  }
0xd: {  	s7 =	sadd.s32 s7, s10;
	s10 =	simm.s32 $0x1;
	s12 =	sshrl.u32 s12, $0x3  }
0xe: {  	s6 =	sadd.s32 $0x3400, s8;
	s8 =	smax.u32 s9, $0x1;
	s9 =	simm.s32 $0x2800  }
.LBB2_1:
0xf: {  	[tilespmem:s9], [sflag:$0x1] =	stream.linear.gather [hbm4b:s5+s3], $0x80, $0x38;
	[tilespmem:$0x2B00] =	vst v63  }
0x10: {  	_ =	swait.ge [sflag:s10], $0x80  }
0x11: {  	[sflag:s10] =	ssyncset.done $0x0  }
0x12: {  	[sflag:s10] =	ssyncadd.s32 $0xFFFFFF80  }
0x13: {  	[tilespmem:s3], [sflag:$0x1] =	stream.linear.gather [hbm4b:s6+s3], $0x2800, $0x38;
	[tilespmem:$0x2B00] =	vst v63  }
0x14: {  	_ =	swait.ge [sflag:s10], $0x2800  }
0x15: {  	[sflag:s10] =	ssyncset.done $0x0  }
0x16: {  	[sflag:s10] =	ssyncadd.s32 $0xFFFFD800  }
0x17: {  	[spmem:s12], [sflag:s11] =	dma.local [hbm:s4], $0x50  }
0x18: {  	_ =	swait.ge [sflag:s10], $0x50  }
0x19: {  	[sflag:s10] =	ssyncset.done $0x0  }
0x1a: {  	[sflag:s10] =	ssyncadd.s32 $0xFFFFFFB0  }
0x1b: {  	s17 =	simm.s32 $0x0;
	[bflag:$0x0] =	sbarrier.arrive $0xFFFF  }
0x1c: {  	[spmem:s2] =	stream.indirect.scatter.add.f32 [tilespmem:s9], [sflag:$0x1], $0x1, s17, s13, $0xb8;
	[tilespmem:$0x2B00] =	vst v63  }
0x1d: {  	_ =	swait.ge [sflag:s10], $0x80  }
0x1e: {  	s17 =	simm.s32 $0x200;
	[sflag:s10] =	ssyncset.done $0x0  }
.LBB2_2:
0x1f: {  	s18 =	sshra.s32 s17, $0x2;
	[sflag:s10] =	ssyncadd.s32 $0xFFFFFF80;
	p0 =	sne.s32 s17, $0x9E00  }
0x20: {  	[spmem:s2] =	stream.indirect.scatter.add.f32 [tilespmem:s9], [sflag:$0x1], $0x1, s18, s13, $0xb8;
	[tilespmem:$0x2B00] =	vst v63  }
.Ltmp0:
0x21: {  	_ = 	snop;
	(pc) =	sbr.rel @p0 .LBB2_2-.Ltmp0, $4  }
0x22: {  	_ = 	snop  }
0x23: {  	s17 =	sadd.s32 $0x200, s17  }
0x24: {  	_ =	swait.ge [sflag:s10], $0x80  }
0x25: {  	[sflag:s10] =	ssyncset.done $0x0  }
0x26: {  	s16 =	sadd.s32 $0x1, s16  }
0x27: {  	[sflag:s10] =	ssyncadd.s32 $0xFFFFFF80;
	p0 =	sne.s32 s16, s8  }
.Ltmp1:
0x28: {  	[bflag:$0x0] =	sbarrier.arrive $0xFFFF;
	(pc) =	sbr.rel @p0 .LBB2_1-.Ltmp1, $4  }
0x29: {  	[hbm:s7@s14], [sflag:s11] =	dma.strided [spmem:s12@s15], $0x50, s10, $0x10   }
0x2a: {  	_ =	swait.ge [sflag:s10], $0x50  }
0x2b: {  	[sflag:s10] =	ssyncset.done $0x0  }
0x2c: {  	[sflag:s10] =	ssyncadd.s32 $0xFFFFFFB0  }
0x2d: {  	_ =	sfence.sel $0x180000  }
0x2e: {  	[bflag:$0x0] =	sbarrier.arrive $0xFFFF  }
0x2f: {  	p0 =	sne.s32 s0, $0x0;
	_ =	strace $0x90000047  }
0x30: {  	s0 =	sadd.s32 @!p0 $0x100000, s1;
	[bflag:$0x2] =	sbarrier.arrive $0xFFFF  }
0x31: {  	[sflag:s0] =	ssyncadd.tile.s32 @!p0 $0x1;
	_ =	shalt  }
.Lfunc_end2:
_tile_overlayer_lowered:
.L_overlay_start_2:
0x32: {  	(tag) =	ssettag $0x2  }
0x33: {  	s0 =	rddreg [dreg:$0x0];
	s2 =	stileid.u32  }
0x34: {  	s1 =	rddreg [dreg:$0x1];
	p0 =	sne.s32 s2, $0x0  }
0x35: {  	s3 =	rddreg [dreg:$0x2];
	[bflag:$0x3] =	sbarrier.arrive $0xFFFF;
	s2 =	simm.s32 @!p0 $0x1C01  }
0x36: {  	[timem:s3], [sflag:s2] =	dma.local @!p0 [hbm:s0], s1  }
0x37: {  	s0 =	simm.s32 @!p0 $0x1  }
0x38: {  	_ =	swait.ge @!p0 [sflag:s0], s1  }
0x39: {  	s1 =	ssub.s32 @!p0 $0x0, s1;
	[sflag:s0] =	ssyncset.done @!p0 $0x0  }
0x3a: {  	[sflag:s0] =	ssyncadd.s32 @!p0 s1  }
0x3b: {  	[bflag:$0x3] =	sbarrier.arrive $0xFFFF  }
0x3c: {  	_ =	shalt  }

</sc_bundles>
